<compile_context>
chip_gen: v7x
topology: tpu7x:2x2x1
jax: 0.10.2.dev20260603
libtpu: 0.0.44.dev20260713+nightly
codegen_flags: <defaults>
</compile_context>

<pallas_src>
import jax
import jax.numpy as jnp
from jax import lax
from jax.experimental import pallas as pl
from jax.experimental.pallas import tpu as pltpu
from jax.experimental.pallas import tpu_sc as plsc

N_ROWS = 1000000
EMB = 16
BATCH = 16384
REGS = 1e-5
LN2 = 0.6931471805599453

NUM_CORES = 2
NUM_SUBCORES = 16
NW = NUM_CORES * NUM_SUBCORES
RPW = BATCH // NW
GROUPS = RPW // 16


def _sc_body(user_hbm, pos_hbm, neg_hbm, table_hbm, out_hbm,
             uidx_v, pidx_v, nidx_v, urows_v, prows_v, nrows_v, part_v, sem):
    cid = lax.axis_index("c")
    sid = lax.axis_index("s")
    wid = sid * NUM_CORES + cid
    base = wid * RPW

    pltpu.sync_copy(user_hbm.at[pl.ds(base, RPW)], uidx_v)
    pltpu.sync_copy(pos_hbm.at[pl.ds(base, RPW)], pidx_v)
    pltpu.sync_copy(neg_hbm.at[pl.ds(base, RPW)], nidx_v)

    cu = pltpu.async_copy(table_hbm.at[uidx_v], urows_v, sem)
    cp = pltpu.async_copy(table_hbm.at[pidx_v], prows_v, sem)
    cn = pltpu.async_copy(table_hbm.at[nidx_v], nrows_v, sem)
    cu.wait()
    cp.wait()
    cn.wait()

    lane = lax.iota(jnp.int32, 16)

    def group(g, carry):
        acc_p, acc_sq = carry
        rvec = lane + g * 16
        d = jnp.zeros((16,), jnp.float32)
        sq = jnp.zeros((16,), jnp.float32)
        for col in range(EMB):
            cvec = jnp.full((16,), col, jnp.int32)
            u = plsc.load_gather(urows_v, [rvec, cvec])
            p = plsc.load_gather(prows_v, [rvec, cvec])
            n = plsc.load_gather(nrows_v, [rvec, cvec])
            d = d + u * (p - n)
            sq = sq + (u * u + p * p + n * n)
        s2 = d * d
        ls = 0.5 * d - 0.125 * s2 + s2 * s2 * (1.0 / 192.0) \
            - s2 * s2 * s2 * (1.0 / 2880.0)
        return acc_p + ls, acc_sq + sq

    zero = jnp.zeros((16,), jnp.float32)
    acc_p, acc_sq = lax.fori_loop(0, GROUPS, group, (zero, zero))

    part_v[0, :] = acc_p
    part_v[1, :] = acc_sq
    pltpu.sync_copy(part_v, out_hbm.at[wid])


@jax.jit
def _sc_call(user, pos_item, neg_item, all_embed):
    mesh = plsc.VectorSubcoreMesh(core_axis_name="c", subcore_axis_name="s")
    f = pl.kernel(
        _sc_body,
        mesh=mesh,
        compiler_params=pltpu.CompilerParams(
            needs_layout_passes=False, use_tc_tiling_on_sc=False),
        out_type=jax.ShapeDtypeStruct((NW, 2, 16), jnp.float32),
        scratch_types=[
            pltpu.VMEM((RPW,), jnp.int32),
            pltpu.VMEM((RPW,), jnp.int32),
            pltpu.VMEM((RPW,), jnp.int32),
            pltpu.VMEM((RPW, EMB), jnp.float32),
            pltpu.VMEM((RPW, EMB), jnp.float32),
            pltpu.VMEM((RPW, EMB), jnp.float32),
            pltpu.VMEM((2, 16), jnp.float32),
            pltpu.SemaphoreType.DMA,
        ],
    )
    return f(user, pos_item, neg_item, all_embed)


def kernel(user, pos_item, neg_item, all_embed):
    user = user.astype(jnp.int32)
    pos_item = pos_item.astype(jnp.int32)
    neg_item = neg_item.astype(jnp.int32)
    part = _sc_call(user, pos_item, neg_item, all_embed)
    bpr_loss = LN2 - jnp.sum(part[:, 0, :]) / BATCH
    reg_loss = REGS * 0.5 * jnp.sum(part[:, 1, :])
    return (bpr_loss, reg_loss)

# --- scband reference (transcript-rebuilt; emitter-appended) ---
"""Pipeline reference for scband-discriminator-51359218925872 (READ-ONLY COPY).

The authoritative reference and input builder live on the scoring server;
editing this copy changes nothing except your own understanding.
"""

import jax, jax.numpy as jnp
import numpy as np

N_USERS = 500000
N_ITEMS = 500000
EMB = 16
BATCH = 16384
REGS = 1e-5


def setup_inputs(seed: int = 0) -> dict:
    key = jax.random.key(seed)
    k1, k2, k3, k4 = jax.random.split(key, 4)
    user = jax.random.randint(k1, (BATCH,), 0, N_USERS)
    pos_item = jax.random.randint(k2, (BATCH,), 0, N_USERS + N_ITEMS)
    neg_item = jax.random.randint(k3, (BATCH,), 0, N_USERS + N_ITEMS)
    # xavier_uniform init for the embedding table (fan_in = rows, fan_out = cols)
    limit = float(np.sqrt(6.0 / ((N_USERS + N_ITEMS) + EMB)))
    all_embed = jax.random.uniform(
        k4, (N_USERS + N_ITEMS, EMB), minval=-limit, maxval=limit, dtype=jnp.float32
    )
    return {"user": user, "pos_item": pos_item, "neg_item": neg_item, "all_embed": all_embed}


def _l2_loss(t):
    return jnp.sum(t ** 2) / 2.0


def reference(user, pos_item, neg_item, all_embed):
    u_e = jnp.take(all_embed, user, axis=0)
    pos_e = jnp.take(all_embed, pos_item, axis=0)
    neg_e = jnp.take(all_embed, neg_item, axis=0)
    reg_loss = _l2_loss(u_e) + _l2_loss(pos_e) + _l2_loss(neg_e)
    reg_loss = REGS * reg_loss
    pos_scores = jnp.sum(u_e * pos_e, axis=1)
    neg_scores = jnp.sum(u_e * neg_e, axis=1)
    bpr_loss = jnp.log(jax.nn.sigmoid(pos_scores - neg_scores))
    bpr_loss = -jnp.mean(bpr_loss)
    return (bpr_loss, reg_loss)

if __name__ == "__main__":
    import jax
    _d = setup_inputs()
    print(jax.jit(kernel)(*tuple(_d.values())))

</pallas_src>

<mosaic_0001>
#map = affine_map<(d0, d1) -> (0)>
#map1 = affine_map<(d0, d1) -> (0, 0)>
#map2 = affine_map<(d0, d1) -> (0, 0, 0)>
module attributes {stable_mosaic.version = 14 : i64} {
  func.func @_sc_body(%arg0: i32, %arg1: i32, %arg2: memref<16384xi32, #tpu.memory_space<hbm>>, %arg3: memref<16384xi32, #tpu.memory_space<hbm>>, %arg4: memref<16384xi32, #tpu.memory_space<hbm>>, %arg5: memref<1000000x16xf32, #tpu.memory_space<hbm>>, %arg6: memref<32x2x16xf32, #tpu.memory_space<hbm>>, %arg7: memref<512xi32, #tpu.memory_space<vmem>>, %arg8: memref<512xi32, #tpu.memory_space<vmem>>, %arg9: memref<512xi32, #tpu.memory_space<vmem>>, %arg10: memref<512x16xf32, #tpu.memory_space<vmem>>, %arg11: memref<512x16xf32, #tpu.memory_space<vmem>>, %arg12: memref<512x16xf32, #tpu.memory_space<vmem>>, %arg13: memref<2x16xf32, #tpu.memory_space<vmem>>, %arg14: memref<!tpu.dma_semaphore, #tpu.memory_space<semaphore_mem>>) attributes {dimension_semantics = [#tpu.dimension_semantics<core_parallel>, #tpu.dimension_semantics<subcore_parallel>], iteration_bounds = array<i64: 2, 16>, scalar_prefetch = 0 : i64, scratch_operands = 8 : i64, tpu.core_type = #tpu.core_type<sc_vector_subcore>, window_params = [{transform_indices = #map}, {transform_indices = #map}, {transform_indices = #map}, {transform_indices = #map1}, {transform_indices = #map2}]} {
    %mul3A = arith.constant 2 : i32
    %mul3A_0 = arith.muli %arg1, %mul3A : i32
    %add3A = arith.addi %mul3A_0, %arg0 : i32
    %mul3A_1 = arith.constant 512 : i32
    %mul3A_2 = arith.muli %add3A, %mul3A_1 : i32
    "tpu.region"() ({
      %run_scoped3A = tpu.sem_alloc : memref<!tpu.dma_semaphore, #tpu.memory_space<semaphore_mem>>
      %dma_start3A_32 = tpu.memref_slice %arg2[%mul3A_2] : memref<16384xi32, #tpu.memory_space<hbm>> -> memref<512xi32, #tpu.memory_space<hbm>>
      %dma_start3A_33 = tpu.memref_slice %arg2[%mul3A_2] : memref<16384xi32, #tpu.memory_space<hbm>> -> memref<512xi32, #tpu.memory_space<hbm>>
      tpu.enqueue_dma source(%dma_start3A_33 : memref<512xi32, #tpu.memory_space<hbm>>) target(%arg7 : memref<512xi32, #tpu.memory_space<vmem>>) target_semaphore(%run_scoped3A : memref<!tpu.dma_semaphore, #tpu.memory_space<semaphore_mem>>)
      %dma_wait3A_34 = tpu.memref_slice %arg2[%mul3A_2] : memref<16384xi32, #tpu.memory_space<hbm>> -> memref<512xi32, #tpu.memory_space<hbm>>
      %dma_wait3A_35 = tpu.memref_slice %arg2[%mul3A_2] : memref<16384xi32, #tpu.memory_space<hbm>> -> memref<512xi32, #tpu.memory_space<hbm>>
      tpu.wait_dma2 semaphore(%run_scoped3A : memref<!tpu.dma_semaphore, #tpu.memory_space<semaphore_mem>>) src(%dma_wait3A_35 : memref<512xi32, #tpu.memory_space<hbm>>) dst(%arg7 : memref<512xi32, #tpu.memory_space<vmem>>)
      tpu.yield
    }) : () -> ()
    "tpu.region"() ({
      %run_scoped3A = tpu.sem_alloc : memref<!tpu.dma_semaphore, #tpu.memory_space<semaphore_mem>>
      %dma_start3A_32 = tpu.memref_slice %arg3[%mul3A_2] : memref<16384xi32, #tpu.memory_space<hbm>> -> memref<512xi32, #tpu.memory_space<hbm>>
      %dma_start3A_33 = tpu.memref_slice %arg3[%mul3A_2] : memref<16384xi32, #tpu.memory_space<hbm>> -> memref<512xi32, #tpu.memory_space<hbm>>
      tpu.enqueue_dma source(%dma_start3A_33 : memref<512xi32, #tpu.memory_space<hbm>>) target(%arg8 : memref<512xi32, #tpu.memory_space<vmem>>) target_semaphore(%run_scoped3A : memref<!tpu.dma_semaphore, #tpu.memory_space<semaphore_mem>>)
      %dma_wait3A_34 = tpu.memref_slice %arg3[%mul3A_2] : memref<16384xi32, #tpu.memory_space<hbm>> -> memref<512xi32, #tpu.memory_space<hbm>>
      %dma_wait3A_35 = tpu.memref_slice %arg3[%mul3A_2] : memref<16384xi32, #tpu.memory_space<hbm>> -> memref<512xi32, #tpu.memory_space<hbm>>
      tpu.wait_dma2 semaphore(%run_scoped3A : memref<!tpu.dma_semaphore, #tpu.memory_space<semaphore_mem>>) src(%dma_wait3A_35 : memref<512xi32, #tpu.memory_space<hbm>>) dst(%arg8 : memref<512xi32, #tpu.memory_space<vmem>>)
      tpu.yield
    }) : () -> ()
    "tpu.region"() ({
      %run_scoped3A = tpu.sem_alloc : memref<!tpu.dma_semaphore, #tpu.memory_space<semaphore_mem>>
      %dma_start3A_32 = tpu.memref_slice %arg4[%mul3A_2] : memref<16384xi32, #tpu.memory_space<hbm>> -> memref<512xi32, #tpu.memory_space<hbm>>
      %dma_start3A_33 = tpu.memref_slice %arg4[%mul3A_2] : memref<16384xi32, #tpu.memory_space<hbm>> -> memref<512xi32, #tpu.memory_space<hbm>>
      tpu.enqueue_dma source(%dma_start3A_33 : memref<512xi32, #tpu.memory_space<hbm>>) target(%arg9 : memref<512xi32, #tpu.memory_space<vmem>>) target_semaphore(%run_scoped3A : memref<!tpu.dma_semaphore, #tpu.memory_space<semaphore_mem>>)
      %dma_wait3A_34 = tpu.memref_slice %arg4[%mul3A_2] : memref<16384xi32, #tpu.memory_space<hbm>> -> memref<512xi32, #tpu.memory_space<hbm>>
      %dma_wait3A_35 = tpu.memref_slice %arg4[%mul3A_2] : memref<16384xi32, #tpu.memory_space<hbm>> -> memref<512xi32, #tpu.memory_space<hbm>>
      tpu.wait_dma2 semaphore(%run_scoped3A : memref<!tpu.dma_semaphore, #tpu.memory_space<semaphore_mem>>) src(%dma_wait3A_35 : memref<512xi32, #tpu.memory_space<hbm>>) dst(%arg9 : memref<512xi32, #tpu.memory_space<vmem>>)
      tpu.yield
    }) : () -> ()
    %dma_start3A = arith.constant 0 : i32
    %dma_start3A_3 = arith.constant 0 : i32
    %dma_start3A_4 = tpu.memref_slice %arg5[%dma_start3A, %dma_start3A_3] : memref<1000000x16xf32, #tpu.memory_space<hbm>> -> memref<1000000x16xf32, #tpu.memory_space<hbm>>
    tpu.enqueue_indirect_dma source(%dma_start3A_4 : memref<1000000x16xf32, #tpu.memory_space<hbm>>) target(%arg10 : memref<512x16xf32, #tpu.memory_space<vmem>>) offsets(%arg7 : memref<512xi32, #tpu.memory_space<vmem>>) semaphore(%arg14 : memref<!tpu.dma_semaphore, #tpu.memory_space<semaphore_mem>>)
    %dma_start3A_5 = arith.constant 0 : i32
    %dma_start3A_6 = arith.constant 0 : i32
    %dma_start3A_7 = tpu.memref_slice %arg5[%dma_start3A_5, %dma_start3A_6] : memref<1000000x16xf32, #tpu.memory_space<hbm>> -> memref<1000000x16xf32, #tpu.memory_space<hbm>>
    tpu.enqueue_indirect_dma source(%dma_start3A_7 : memref<1000000x16xf32, #tpu.memory_space<hbm>>) target(%arg11 : memref<512x16xf32, #tpu.memory_space<vmem>>) offsets(%arg8 : memref<512xi32, #tpu.memory_space<vmem>>) semaphore(%arg14 : memref<!tpu.dma_semaphore, #tpu.memory_space<semaphore_mem>>)
    %dma_start3A_8 = arith.constant 0 : i32
    %dma_start3A_9 = arith.constant 0 : i32
    %dma_start3A_10 = tpu.memref_slice %arg5[%dma_start3A_8, %dma_start3A_9] : memref<1000000x16xf32, #tpu.memory_space<hbm>> -> memref<1000000x16xf32, #tpu.memory_space<hbm>>
    tpu.enqueue_indirect_dma source(%dma_start3A_10 : memref<1000000x16xf32, #tpu.memory_space<hbm>>) target(%arg12 : memref<512x16xf32, #tpu.memory_space<vmem>>) offsets(%arg9 : memref<512xi32, #tpu.memory_space<vmem>>) semaphore(%arg14 : memref<!tpu.dma_semaphore, #tpu.memory_space<semaphore_mem>>)
    %dma_wait3A = arith.constant 0 : i32
    %dma_wait3A_11 = arith.constant 0 : i32
    %dma_wait3A_12 = tpu.memref_slice %arg5[%dma_wait3A, %dma_wait3A_11] : memref<1000000x16xf32, #tpu.memory_space<hbm>> -> memref<1000000x16xf32, #tpu.memory_space<hbm>>
    tpu.wait_indirect_dma semaphore(%arg14 : memref<!tpu.dma_semaphore, #tpu.memory_space<semaphore_mem>>) src(%dma_wait3A_12 : memref<1000000x16xf32, #tpu.memory_space<hbm>>) dst(%arg10 : memref<512x16xf32, #tpu.memory_space<vmem>>)
    %dma_wait3A_13 = arith.constant 0 : i32
    %dma_wait3A_14 = arith.constant 0 : i32
    %dma_wait3A_15 = tpu.memref_slice %arg5[%dma_wait3A_13, %dma_wait3A_14] : memref<1000000x16xf32, #tpu.memory_space<hbm>> -> memref<1000000x16xf32, #tpu.memory_space<hbm>>
    tpu.wait_indirect_dma semaphore(%arg14 : memref<!tpu.dma_semaphore, #tpu.memory_space<semaphore_mem>>) src(%dma_wait3A_15 : memref<1000000x16xf32, #tpu.memory_space<hbm>>) dst(%arg11 : memref<512x16xf32, #tpu.memory_space<vmem>>)
    %dma_wait3A_16 = arith.constant 0 : i32
    %dma_wait3A_17 = arith.constant 0 : i32
    %dma_wait3A_18 = tpu.memref_slice %arg5[%dma_wait3A_16, %dma_wait3A_17] : memref<1000000x16xf32, #tpu.memory_space<hbm>> -> memref<1000000x16xf32, #tpu.memory_space<hbm>>
    tpu.wait_indirect_dma semaphore(%arg14 : memref<!tpu.dma_semaphore, #tpu.memory_space<semaphore_mem>>) src(%dma_wait3A_18 : memref<1000000x16xf32, #tpu.memory_space<hbm>>) dst(%arg12 : memref<512x16xf32, #tpu.memory_space<vmem>>)
    %iota3A = tpu.iota {dimensions = array<i32: 0>} : vector<16xi32>
    %broadcast_in_dim3A = arith.constant 0.000000e+00 : f32
    %broadcast_in_dim3A_19 = vector.broadcast %broadcast_in_dim3A : f32 to vector<16xf32>
    %scan3A = arith.constant 0 : i32
    %scan3A_20 = arith.constant 32 : i32
    %scan3A_21 = arith.addi %scan3A, %scan3A_20 : i32
    %scan3A_22 = arith.constant 1 : i32
    %scan3A_23:2 = scf.for %scan3A_32 = %scan3A to %scan3A_21 step %scan3A_22 iter_args(%scan3A_33 = %broadcast_in_dim3A_19, %scan3A_34 = %broadcast_in_dim3A_19) -> (vector<16xf32>, vector<16xf32>)  : i32 {
      %mul3A_35 = arith.constant 16 : i32
      %mul3A_36 = arith.muli %scan3A_32, %mul3A_35 : i32
      %add3A_37 = vector.broadcast %mul3A_36 : i32 to vector<16xi32>
      %add3A_38 = arith.addi %iota3A, %add3A_37 : vector<16xi32>
      %broadcast_in_dim3A_39 = arith.constant 0.000000e+00 : f32
      %broadcast_in_dim3A_40 = vector.broadcast %broadcast_in_dim3A_39 : f32 to vector<16xf32>
      %broadcast_in_dim3A_41 = arith.constant 0.000000e+00 : f32
      %broadcast_in_dim3A_42 = vector.broadcast %broadcast_in_dim3A_41 : f32 to vector<16xf32>
      %broadcast_in_dim3A_43 = arith.constant 0 : i32
      %broadcast_in_dim3A_44 = vector.broadcast %broadcast_in_dim3A_43 : i32 to vector<16xi32>
      %gather3A = tpu.vector_load_idx %arg10[%add3A_38, %broadcast_in_dim3A_44] : memref<512x16xf32, #tpu.memory_space<vmem>>[vector<16xi32>, vector<16xi32>], vector<16xf32>,
      %gather3A_45 = tpu.vector_load_idx %arg11[%add3A_38, %broadcast_in_dim3A_44] : memref<512x16xf32, #tpu.memory_space<vmem>>[vector<16xi32>, vector<16xi32>], vector<16xf32>,
      %gather3A_46 = tpu.vector_load_idx %arg12[%add3A_38, %broadcast_in_dim3A_44] : memref<512x16xf32, #tpu.memory_space<vmem>>[vector<16xi32>, vector<16xi32>], vector<16xf32>,
      %sub3A = arith.subf %gather3A_45, %gather3A_46 : vector<16xf32>
      %mul3A_47 = arith.mulf %gather3A, %sub3A : vector<16xf32>
      %add3A_48 = arith.addf %broadcast_in_dim3A_40, %mul3A_47 : vector<16xf32>
      %mul3A_49 = arith.mulf %gather3A, %gather3A : vector<16xf32>
      %mul3A_50 = arith.mulf %gather3A_45, %gather3A_45 : vector<16xf32>
      %add3A_51 = arith.addf %mul3A_49, %mul3A_50 : vector<16xf32>
      %mul3A_52 = arith.mulf %gather3A_46, %gather3A_46 : vector<16xf32>
      %add3A_53 = arith.addf %add3A_51, %mul3A_52 : vector<16xf32>
      %add3A_54 = arith.addf %broadcast_in_dim3A_42, %add3A_53 : vector<16xf32>
      %broadcast_in_dim3A_55 = arith.constant 1 : i32
      %broadcast_in_dim3A_56 = vector.broadcast %broadcast_in_dim3A_55 : i32 to vector<16xi32>
      %gather3A_57 = tpu.vector_load_idx %arg10[%add3A_38, %broadcast_in_dim3A_56] : memref<512x16xf32, #tpu.memory_space<vmem>>[vector<16xi32>, vector<16xi32>], vector<16xf32>,
      %gather3A_58 = tpu.vector_load_idx %arg11[%add3A_38, %broadcast_in_dim3A_56] : memref<512x16xf32, #tpu.memory_space<vmem>>[vector<16xi32>, vector<16xi32>], vector<16xf32>,
      %gather3A_59 = tpu.vector_load_idx %arg12[%add3A_38, %broadcast_in_dim3A_56] : memref<512x16xf32, #tpu.memory_space<vmem>>[vector<16xi32>, vector<16xi32>], vector<16xf32>,
      %sub3A_60 = arith.subf %gather3A_58, %gather3A_59 : vector<16xf32>
      %mul3A_61 = arith.mulf %gather3A_57, %sub3A_60 : vector<16xf32>
      %add3A_62 = arith.addf %add3A_48, %mul3A_61 : vector<16xf32>
      %mul3A_63 = arith.mulf %gather3A_57, %gather3A_57 : vector<16xf32>
      %mul3A_64 = arith.mulf %gather3A_58, %gather3A_58 : vector<16xf32>
      %add3A_65 = arith.addf %mul3A_63, %mul3A_64 : vector<16xf32>
      %mul3A_66 = arith.mulf %gather3A_59, %gather3A_59 : vector<16xf32>
      %add3A_67 = arith.addf %add3A_65, %mul3A_66 : vector<16xf32>
      %add3A_68 = arith.addf %add3A_54, %add3A_67 : vector<16xf32>
      %broadcast_in_dim3A_69 = arith.constant 2 : i32
      %broadcast_in_dim3A_70 = vector.broadcast %broadcast_in_dim3A_69 : i32 to vector<16xi32>
      %gather3A_71 = tpu.vector_load_idx %arg10[%add3A_38, %broadcast_in_dim3A_70] : memref<512x16xf32, #tpu.memory_space<vmem>>[vector<16xi32>, vector<16xi32>], vector<16xf32>,
      %gather3A_72 = tpu.vector_load_idx %arg11[%add3A_38, %broadcast_in_dim3A_70] : memref<512x16xf32, #tpu.memory_space<vmem>>[vector<16xi32>, vector<16xi32>], vector<16xf32>,
      %gather3A_73 = tpu.vector_load_idx %arg12[%add3A_38, %broadcast_in_dim3A_70] : memref<512x16xf32, #tpu.memory_space<vmem>>[vector<16xi32>, vector<16xi32>], vector<16xf32>,
      %sub3A_74 = arith.subf %gather3A_72, %gather3A_73 : vector<16xf32>
      %mul3A_75 = arith.mulf %gather3A_71, %sub3A_74 : vector<16xf32>
      %add3A_76 = arith.addf %add3A_62, %mul3A_75 : vector<16xf32>
      %mul3A_77 = arith.mulf %gather3A_71, %gather3A_71 : vector<16xf32>
      %mul3A_78 = arith.mulf %gather3A_72, %gather3A_72 : vector<16xf32>
      %add3A_79 = arith.addf %mul3A_77, %mul3A_78 : vector<16xf32>
      %mul3A_80 = arith.mulf %gather3A_73, %gather3A_73 : vector<16xf32>
      %add3A_81 = arith.addf %add3A_79, %mul3A_80 : vector<16xf32>
      %add3A_82 = arith.addf %add3A_68, %add3A_81 : vector<16xf32>
      %broadcast_in_dim3A_83 = arith.constant 3 : i32
      %broadcast_in_dim3A_84 = vector.broadcast %broadcast_in_dim3A_83 : i32 to vector<16xi32>
      %gather3A_85 = tpu.vector_load_idx %arg10[%add3A_38, %broadcast_in_dim3A_84] : memref<512x16xf32, #tpu.memory_space<vmem>>[vector<16xi32>, vector<16xi32>], vector<16xf32>,
      %gather3A_86 = tpu.vector_load_idx %arg11[%add3A_38, %broadcast_in_dim3A_84] : memref<512x16xf32, #tpu.memory_space<vmem>>[vector<16xi32>, vector<16xi32>], vector<16xf32>,
      %gather3A_87 = tpu.vector_load_idx %arg12[%add3A_38, %broadcast_in_dim3A_84] : memref<512x16xf32, #tpu.memory_space<vmem>>[vector<16xi32>, vector<16xi32>], vector<16xf32>,
      %sub3A_88 = arith.subf %gather3A_86, %gather3A_87 : vector<16xf32>
      %mul3A_89 = arith.mulf %gather3A_85, %sub3A_88 : vector<16xf32>
      %add3A_90 = arith.addf %add3A_76, %mul3A_89 : vector<16xf32>
      %mul3A_91 = arith.mulf %gather3A_85, %gather3A_85 : vector<16xf32>
      %mul3A_92 = arith.mulf %gather3A_86, %gather3A_86 : vector<16xf32>
      %add3A_93 = arith.addf %mul3A_91, %mul3A_92 : vector<16xf32>
      %mul3A_94 = arith.mulf %gather3A_87, %gather3A_87 : vector<16xf32>
      %add3A_95 = arith.addf %add3A_93, %mul3A_94 : vector<16xf32>
      %add3A_96 = arith.addf %add3A_82, %add3A_95 : vector<16xf32>
      %broadcast_in_dim3A_97 = arith.constant 4 : i32
      %broadcast_in_dim3A_98 = vector.broadcast %broadcast_in_dim3A_97 : i32 to vector<16xi32>
      %gather3A_99 = tpu.vector_load_idx %arg10[%add3A_38, %broadcast_in_dim3A_98] : memref<512x16xf32, #tpu.memory_space<vmem>>[vector<16xi32>, vector<16xi32>], vector<16xf32>,
      %gather3A_100 = tpu.vector_load_idx %arg11[%add3A_38, %broadcast_in_dim3A_98] : memref<512x16xf32, #tpu.memory_space<vmem>>[vector<16xi32>, vector<16xi32>], vector<16xf32>,
      %gather3A_101 = tpu.vector_load_idx %arg12[%add3A_38, %broadcast_in_dim3A_98] : memref<512x16xf32, #tpu.memory_space<vmem>>[vector<16xi32>, vector<16xi32>], vector<16xf32>,
      %sub3A_102 = arith.subf %gather3A_100, %gather3A_101 : vector<16xf32>
      %mul3A_103 = arith.mulf %gather3A_99, %sub3A_102 : vector<16xf32>
      %add3A_104 = arith.addf %add3A_90, %mul3A_103 : vector<16xf32>
      %mul3A_105 = arith.mulf %gather3A_99, %gather3A_99 : vector<16xf32>
      %mul3A_106 = arith.mulf %gather3A_100, %gather3A_100 : vector<16xf32>
      %add3A_107 = arith.addf %mul3A_105, %mul3A_106 : vector<16xf32>
      %mul3A_108 = arith.mulf %gather3A_101, %gather3A_101 : vector<16xf32>
      %add3A_109 = arith.addf %add3A_107, %mul3A_108 : vector<16xf32>
      %add3A_110 = arith.addf %add3A_96, %add3A_109 : vector<16xf32>
      %broadcast_in_dim3A_111 = arith.constant 5 : i32
      %broadcast_in_dim3A_112 = vector.broadcast %broadcast_in_dim3A_111 : i32 to vector<16xi32>
      %gather3A_113 = tpu.vector_load_idx %arg10[%add3A_38, %broadcast_in_dim3A_112] : memref<512x16xf32, #tpu.memory_space<vmem>>[vector<16xi32>, vector<16xi32>], vector<16xf32>,
      %gather3A_114 = tpu.vector_load_idx %arg11[%add3A_38, %broadcast_in_dim3A_112] : memref<512x16xf32, #tpu.memory_space<vmem>>[vector<16xi32>, vector<16xi32>], vector<16xf32>,
      %gather3A_115 = tpu.vector_load_idx %arg12[%add3A_38, %broadcast_in_dim3A_112] : memref<512x16xf32, #tpu.memory_space<vmem>>[vector<16xi32>, vector<16xi32>], vector<16xf32>,
      %sub3A_116 = arith.subf %gather3A_114, %gather3A_115 : vector<16xf32>
      %mul3A_117 = arith.mulf %gather3A_113, %sub3A_116 : vector<16xf32>
      %add3A_118 = arith.addf %add3A_104, %mul3A_117 : vector<16xf32>
      %mul3A_119 = arith.mulf %gather3A_113, %gather3A_113 : vector<16xf32>
      %mul3A_120 = arith.mulf %gather3A_114, %gather3A_114 : vector<16xf32>
      %add3A_121 = arith.addf %mul3A_119, %mul3A_120 : vector<16xf32>
      %mul3A_122 = arith.mulf %gather3A_115, %gather3A_115 : vector<16xf32>
      %add3A_123 = arith.addf %add3A_121, %mul3A_122 : vector<16xf32>
      %add3A_124 = arith.addf %add3A_110, %add3A_123 : vector<16xf32>
      %broadcast_in_dim3A_125 = arith.constant 6 : i32
      %broadcast_in_dim3A_126 = vector.broadcast %broadcast_in_dim3A_125 : i32 to vector<16xi32>
      %gather3A_127 = tpu.vector_load_idx %arg10[%add3A_38, %broadcast_in_dim3A_126] : memref<512x16xf32, #tpu.memory_space<vmem>>[vector<16xi32>, vector<16xi32>], vector<16xf32>,
      %gather3A_128 = tpu.vector_load_idx %arg11[%add3A_38, %broadcast_in_dim3A_126] : memref<512x16xf32, #tpu.memory_space<vmem>>[vector<16xi32>, vector<16xi32>], vector<16xf32>,
      %gather3A_129 = tpu.vector_load_idx %arg12[%add3A_38, %broadcast_in_dim3A_126] : memref<512x16xf32, #tpu.memory_space<vmem>>[vector<16xi32>, vector<16xi32>], vector<16xf32>,
      %sub3A_130 = arith.subf %gather3A_128, %gather3A_129 : vector<16xf32>
      %mul3A_131 = arith.mulf %gather3A_127, %sub3A_130 : vector<16xf32>
      %add3A_132 = arith.addf %add3A_118, %mul3A_131 : vector<16xf32>
      %mul3A_133 = arith.mulf %gather3A_127, %gather3A_127 : vector<16xf32>
      %mul3A_134 = arith.mulf %gather3A_128, %gather3A_128 : vector<16xf32>
      %add3A_135 = arith.addf %mul3A_133, %mul3A_134 : vector<16xf32>
      %mul3A_136 = arith.mulf %gather3A_129, %gather3A_129 : vector<16xf32>
      %add3A_137 = arith.addf %add3A_135, %mul3A_136 : vector<16xf32>
      %add3A_138 = arith.addf %add3A_124, %add3A_137 : vector<16xf32>
      %broadcast_in_dim3A_139 = arith.constant 7 : i32
      %broadcast_in_dim3A_140 = vector.broadcast %broadcast_in_dim3A_139 : i32 to vector<16xi32>
      %gather3A_141 = tpu.vector_load_idx %arg10[%add3A_38, %broadcast_in_dim3A_140] : memref<512x16xf32, #tpu.memory_space<vmem>>[vector<16xi32>, vector<16xi32>], vector<16xf32>,
      %gather3A_142 = tpu.vector_load_idx %arg11[%add3A_38, %broadcast_in_dim3A_140] : memref<512x16xf32, #tpu.memory_space<vmem>>[vector<16xi32>, vector<16xi32>], vector<16xf32>,
      %gather3A_143 = tpu.vector_load_idx %arg12[%add3A_38, %broadcast_in_dim3A_140] : memref<512x16xf32, #tpu.memory_space<vmem>>[vector<16xi32>, vector<16xi32>], vector<16xf32>,
      %sub3A_144 = arith.subf %gather3A_142, %gather3A_143 : vector<16xf32>
      %mul3A_145 = arith.mulf %gather3A_141, %sub3A_144 : vector<16xf32>
      %add3A_146 = arith.addf %add3A_132, %mul3A_145 : vector<16xf32>
      %mul3A_147 = arith.mulf %gather3A_141, %gather3A_141 : vector<16xf32>
      %mul3A_148 = arith.mulf %gather3A_142, %gather3A_142 : vector<16xf32>
      %add3A_149 = arith.addf %mul3A_147, %mul3A_148 : vector<16xf32>
      %mul3A_150 = arith.mulf %gather3A_143, %gather3A_143 : vector<16xf32>
      %add3A_151 = arith.addf %add3A_149, %mul3A_150 : vector<16xf32>
      %add3A_152 = arith.addf %add3A_138, %add3A_151 : vector<16xf32>
      %broadcast_in_dim3A_153 = arith.constant 8 : i32
      %broadcast_in_dim3A_154 = vector.broadcast %broadcast_in_dim3A_153 : i32 to vector<16xi32>
      %gather3A_155 = tpu.vector_load_idx %arg10[%add3A_38, %broadcast_in_dim3A_154] : memref<512x16xf32, #tpu.memory_space<vmem>>[vector<16xi32>, vector<16xi32>], vector<16xf32>,
      %gather3A_156 = tpu.vector_load_idx %arg11[%add3A_38, %broadcast_in_dim3A_154] : memref<512x16xf32, #tpu.memory_space<vmem>>[vector<16xi32>, vector<16xi32>], vector<16xf32>,
      %gather3A_157 = tpu.vector_load_idx %arg12[%add3A_38, %broadcast_in_dim3A_154] : memref<512x16xf32, #tpu.memory_space<vmem>>[vector<16xi32>, vector<16xi32>], vector<16xf32>,
      %sub3A_158 = arith.subf %gather3A_156, %gather3A_157 : vector<16xf32>
      %mul3A_159 = arith.mulf %gather3A_155, %sub3A_158 : vector<16xf32>
      %add3A_160 = arith.addf %add3A_146, %mul3A_159 : vector<16xf32>
      %mul3A_161 = arith.mulf %gather3A_155, %gather3A_155 : vector<16xf32>
      %mul3A_162 = arith.mulf %gather3A_156, %gather3A_156 : vector<16xf32>
      %add3A_163 = arith.addf %mul3A_161, %mul3A_162 : vector<16xf32>
      %mul3A_164 = arith.mulf %gather3A_157, %gather3A_157 : vector<16xf32>
      %add3A_165 = arith.addf %add3A_163, %mul3A_164 : vector<16xf32>
      %add3A_166 = arith.addf %add3A_152, %add3A_165 : vector<16xf32>
      %broadcast_in_dim3A_167 = arith.constant 9 : i32
      %broadcast_in_dim3A_168 = vector.broadcast %broadcast_in_dim3A_167 : i32 to vector<16xi32>
      %gather3A_169 = tpu.vector_load_idx %arg10[%add3A_38, %broadcast_in_dim3A_168] : memref<512x16xf32, #tpu.memory_space<vmem>>[vector<16xi32>, vector<16xi32>], vector<16xf32>,
      %gather3A_170 = tpu.vector_load_idx %arg11[%add3A_38, %broadcast_in_dim3A_168] : memref<512x16xf32, #tpu.memory_space<vmem>>[vector<16xi32>, vector<16xi32>], vector<16xf32>,
      %gather3A_171 = tpu.vector_load_idx %arg12[%add3A_38, %broadcast_in_dim3A_168] : memref<512x16xf32, #tpu.memory_space<vmem>>[vector<16xi32>, vector<16xi32>], vector<16xf32>,
      %sub3A_172 = arith.subf %gather3A_170, %gather3A_171 : vector<16xf32>
      %mul3A_173 = arith.mulf %gather3A_169, %sub3A_172 : vector<16xf32>
      %add3A_174 = arith.addf %add3A_160, %mul3A_173 : vector<16xf32>
      %mul3A_175 = arith.mulf %gather3A_169, %gather3A_169 : vector<16xf32>
      %mul3A_176 = arith.mulf %gather3A_170, %gather3A_170 : vector<16xf32>
      %add3A_177 = arith.addf %mul3A_175, %mul3A_176 : vector<16xf32>
      %mul3A_178 = arith.mulf %gather3A_171, %gather3A_171 : vector<16xf32>
      %add3A_179 = arith.addf %add3A_177, %mul3A_178 : vector<16xf32>
      %add3A_180 = arith.addf %add3A_166, %add3A_179 : vector<16xf32>
      %broadcast_in_dim3A_181 = arith.constant 10 : i32
      %broadcast_in_dim3A_182 = vector.broadcast %broadcast_in_dim3A_181 : i32 to vector<16xi32>
      %gather3A_183 = tpu.vector_load_idx %arg10[%add3A_38, %broadcast_in_dim3A_182] : memref<512x16xf32, #tpu.memory_space<vmem>>[vector<16xi32>, vector<16xi32>], vector<16xf32>,
      %gather3A_184 = tpu.vector_load_idx %arg11[%add3A_38, %broadcast_in_dim3A_182] : memref<512x16xf32, #tpu.memory_space<vmem>>[vector<16xi32>, vector<16xi32>], vector<16xf32>,
      %gather3A_185 = tpu.vector_load_idx %arg12[%add3A_38, %broadcast_in_dim3A_182] : memref<512x16xf32, #tpu.memory_space<vmem>>[vector<16xi32>, vector<16xi32>], vector<16xf32>,
      %sub3A_186 = arith.subf %gather3A_184, %gather3A_185 : vector<16xf32>
      %mul3A_187 = arith.mulf %gather3A_183, %sub3A_186 : vector<16xf32>
      %add3A_188 = arith.addf %add3A_174, %mul3A_187 : vector<16xf32>
      %mul3A_189 = arith.mulf %gather3A_183, %gather3A_183 : vector<16xf32>
      %mul3A_190 = arith.mulf %gather3A_184, %gather3A_184 : vector<16xf32>
      %add3A_191 = arith.addf %mul3A_189, %mul3A_190 : vector<16xf32>
      %mul3A_192 = arith.mulf %gather3A_185, %gather3A_185 : vector<16xf32>
      %add3A_193 = arith.addf %add3A_191, %mul3A_192 : vector<16xf32>
      %add3A_194 = arith.addf %add3A_180, %add3A_193 : vector<16xf32>
      %broadcast_in_dim3A_195 = arith.constant 11 : i32
      %broadcast_in_dim3A_196 = vector.broadcast %broadcast_in_dim3A_195 : i32 to vector<16xi32>
      %gather3A_197 = tpu.vector_load_idx %arg10[%add3A_38, %broadcast_in_dim3A_196] : memref<512x16xf32, #tpu.memory_space<vmem>>[vector<16xi32>, vector<16xi32>], vector<16xf32>,
      %gather3A_198 = tpu.vector_load_idx %arg11[%add3A_38, %broadcast_in_dim3A_196] : memref<512x16xf32, #tpu.memory_space<vmem>>[vector<16xi32>, vector<16xi32>], vector<16xf32>,
      %gather3A_199 = tpu.vector_load_idx %arg12[%add3A_38, %broadcast_in_dim3A_196] : memref<512x16xf32, #tpu.memory_space<vmem>>[vector<16xi32>, vector<16xi32>], vector<16xf32>,
      %sub3A_200 = arith.subf %gather3A_198, %gather3A_199 : vector<16xf32>
      %mul3A_201 = arith.mulf %gather3A_197, %sub3A_200 : vector<16xf32>
      %add3A_202 = arith.addf %add3A_188, %mul3A_201 : vector<16xf32>
      %mul3A_203 = arith.mulf %gather3A_197, %gather3A_197 : vector<16xf32>
      %mul3A_204 = arith.mulf %gather3A_198, %gather3A_198 : vector<16xf32>
      %add3A_205 = arith.addf %mul3A_203, %mul3A_204 : vector<16xf32>
      %mul3A_206 = arith.mulf %gather3A_199, %gather3A_199 : vector<16xf32>
      %add3A_207 = arith.addf %add3A_205, %mul3A_206 : vector<16xf32>
      %add3A_208 = arith.addf %add3A_194, %add3A_207 : vector<16xf32>
      %broadcast_in_dim3A_209 = arith.constant 12 : i32
      %broadcast_in_dim3A_210 = vector.broadcast %broadcast_in_dim3A_209 : i32 to vector<16xi32>
      %gather3A_211 = tpu.vector_load_idx %arg10[%add3A_38, %broadcast_in_dim3A_210] : memref<512x16xf32, #tpu.memory_space<vmem>>[vector<16xi32>, vector<16xi32>], vector<16xf32>,
      %gather3A_212 = tpu.vector_load_idx %arg11[%add3A_38, %broadcast_in_dim3A_210] : memref<512x16xf32, #tpu.memory_space<vmem>>[vector<16xi32>, vector<16xi32>], vector<16xf32>,
      %gather3A_213 = tpu.vector_load_idx %arg12[%add3A_38, %broadcast_in_dim3A_210] : memref<512x16xf32, #tpu.memory_space<vmem>>[vector<16xi32>, vector<16xi32>], vector<16xf32>,
      %sub3A_214 = arith.subf %gather3A_212, %gather3A_213 : vector<16xf32>
      %mul3A_215 = arith.mulf %gather3A_211, %sub3A_214 : vector<16xf32>
      %add3A_216 = arith.addf %add3A_202, %mul3A_215 : vector<16xf32>
      %mul3A_217 = arith.mulf %gather3A_211, %gather3A_211 : vector<16xf32>
      %mul3A_218 = arith.mulf %gather3A_212, %gather3A_212 : vector<16xf32>
      %add3A_219 = arith.addf %mul3A_217, %mul3A_218 : vector<16xf32>
      %mul3A_220 = arith.mulf %gather3A_213, %gather3A_213 : vector<16xf32>
      %add3A_221 = arith.addf %add3A_219, %mul3A_220 : vector<16xf32>
      %add3A_222 = arith.addf %add3A_208, %add3A_221 : vector<16xf32>
      %broadcast_in_dim3A_223 = arith.constant 13 : i32
      %broadcast_in_dim3A_224 = vector.broadcast %broadcast_in_dim3A_223 : i32 to vector<16xi32>
      %gather3A_225 = tpu.vector_load_idx %arg10[%add3A_38, %broadcast_in_dim3A_224] : memref<512x16xf32, #tpu.memory_space<vmem>>[vector<16xi32>, vector<16xi32>], vector<16xf32>,
      %gather3A_226 = tpu.vector_load_idx %arg11[%add3A_38, %broadcast_in_dim3A_224] : memref<512x16xf32, #tpu.memory_space<vmem>>[vector<16xi32>, vector<16xi32>], vector<16xf32>,
      %gather3A_227 = tpu.vector_load_idx %arg12[%add3A_38, %broadcast_in_dim3A_224] : memref<512x16xf32, #tpu.memory_space<vmem>>[vector<16xi32>, vector<16xi32>], vector<16xf32>,
      %sub3A_228 = arith.subf %gather3A_226, %gather3A_227 : vector<16xf32>
      %mul3A_229 = arith.mulf %gather3A_225, %sub3A_228 : vector<16xf32>
      %add3A_230 = arith.addf %add3A_216, %mul3A_229 : vector<16xf32>
      %mul3A_231 = arith.mulf %gather3A_225, %gather3A_225 : vector<16xf32>
      %mul3A_232 = arith.mulf %gather3A_226, %gather3A_226 : vector<16xf32>
      %add3A_233 = arith.addf %mul3A_231, %mul3A_232 : vector<16xf32>
      %mul3A_234 = arith.mulf %gather3A_227, %gather3A_227 : vector<16xf32>
      %add3A_235 = arith.addf %add3A_233, %mul3A_234 : vector<16xf32>
      %add3A_236 = arith.addf %add3A_222, %add3A_235 : vector<16xf32>
      %broadcast_in_dim3A_237 = arith.constant 14 : i32
      %broadcast_in_dim3A_238 = vector.broadcast %broadcast_in_dim3A_237 : i32 to vector<16xi32>
      %gather3A_239 = tpu.vector_load_idx %arg10[%add3A_38, %broadcast_in_dim3A_238] : memref<512x16xf32, #tpu.memory_space<vmem>>[vector<16xi32>, vector<16xi32>], vector<16xf32>,
      %gather3A_240 = tpu.vector_load_idx %arg11[%add3A_38, %broadcast_in_dim3A_238] : memref<512x16xf32, #tpu.memory_space<vmem>>[vector<16xi32>, vector<16xi32>], vector<16xf32>,
      %gather3A_241 = tpu.vector_load_idx %arg12[%add3A_38, %broadcast_in_dim3A_238] : memref<512x16xf32, #tpu.memory_space<vmem>>[vector<16xi32>, vector<16xi32>], vector<16xf32>,
      %sub3A_242 = arith.subf %gather3A_240, %gather3A_241 : vector<16xf32>
      %mul3A_243 = arith.mulf %gather3A_239, %sub3A_242 : vector<16xf32>
      %add3A_244 = arith.addf %add3A_230, %mul3A_243 : vector<16xf32>
      %mul3A_245 = arith.mulf %gather3A_239, %gather3A_239 : vector<16xf32>
      %mul3A_246 = arith.mulf %gather3A_240, %gather3A_240 : vector<16xf32>
      %add3A_247 = arith.addf %mul3A_245, %mul3A_246 : vector<16xf32>
      %mul3A_248 = arith.mulf %gather3A_241, %gather3A_241 : vector<16xf32>
      %add3A_249 = arith.addf %add3A_247, %mul3A_248 : vector<16xf32>
      %add3A_250 = arith.addf %add3A_236, %add3A_249 : vector<16xf32>
      %broadcast_in_dim3A_251 = arith.constant 15 : i32
      %broadcast_in_dim3A_252 = vector.broadcast %broadcast_in_dim3A_251 : i32 to vector<16xi32>
      %gather3A_253 = tpu.vector_load_idx %arg10[%add3A_38, %broadcast_in_dim3A_252] : memref<512x16xf32, #tpu.memory_space<vmem>>[vector<16xi32>, vector<16xi32>], vector<16xf32>,
      %gather3A_254 = tpu.vector_load_idx %arg11[%add3A_38, %broadcast_in_dim3A_252] : memref<512x16xf32, #tpu.memory_space<vmem>>[vector<16xi32>, vector<16xi32>], vector<16xf32>,
      %gather3A_255 = tpu.vector_load_idx %arg12[%add3A_38, %broadcast_in_dim3A_252] : memref<512x16xf32, #tpu.memory_space<vmem>>[vector<16xi32>, vector<16xi32>], vector<16xf32>,
      %sub3A_256 = arith.subf %gather3A_254, %gather3A_255 : vector<16xf32>
      %mul3A_257 = arith.mulf %gather3A_253, %sub3A_256 : vector<16xf32>
      %add3A_258 = arith.addf %add3A_244, %mul3A_257 : vector<16xf32>
      %mul3A_259 = arith.mulf %gather3A_253, %gather3A_253 : vector<16xf32>
      %mul3A_260 = arith.mulf %gather3A_254, %gather3A_254 : vector<16xf32>
      %add3A_261 = arith.addf %mul3A_259, %mul3A_260 : vector<16xf32>
      %mul3A_262 = arith.mulf %gather3A_255, %gather3A_255 : vector<16xf32>
      %add3A_263 = arith.addf %add3A_261, %mul3A_262 : vector<16xf32>
      %add3A_264 = arith.addf %add3A_250, %add3A_263 : vector<16xf32>
      %mul3A_265 = arith.mulf %add3A_258, %add3A_258 : vector<16xf32>
      %mul3A_266 = arith.constant 5.000000e-01 : f32
      %mul3A_267 = vector.broadcast %mul3A_266 : f32 to vector<16xf32>
      %mul3A_268 = arith.mulf %mul3A_267, %add3A_258 : vector<16xf32>
      %mul3A_269 = arith.constant 1.250000e-01 : f32
      %mul3A_270 = vector.broadcast %mul3A_269 : f32 to vector<16xf32>
      %mul3A_271 = arith.mulf %mul3A_270, %mul3A_265 : vector<16xf32>
      %sub3A_272 = arith.subf %mul3A_268, %mul3A_271 : vector<16xf32>
      %mul3A_273 = arith.mulf %mul3A_265, %mul3A_265 : vector<16xf32>
      %mul3A_274 = arith.constant 0.00520833349 : f32
      %mul3A_275 = vector.broadcast %mul3A_274 : f32 to vector<16xf32>
      %mul3A_276 = arith.mulf %mul3A_273, %mul3A_275 : vector<16xf32>
      %add3A_277 = arith.addf %sub3A_272, %mul3A_276 : vector<16xf32>
      %mul3A_278 = arith.mulf %mul3A_265, %mul3A_265 : vector<16xf32>
      %mul3A_279 = arith.mulf %mul3A_278, %mul3A_265 : vector<16xf32>
      %mul3A_280 = arith.constant 3.47222231E-4 : f32
      %mul3A_281 = vector.broadcast %mul3A_280 : f32 to vector<16xf32>
      %mul3A_282 = arith.mulf %mul3A_279, %mul3A_281 : vector<16xf32>
      %sub3A_283 = arith.subf %add3A_277, %mul3A_282 : vector<16xf32>
      %add3A_284 = arith.addf %scan3A_33, %sub3A_283 : vector<16xf32>
      %add3A_285 = arith.addf %scan3A_34, %add3A_264 : vector<16xf32>
      scf.yield %add3A_284, %add3A_285 : vector<16xf32>, vector<16xf32>
    }
    %scan3A_24 = arith.constant 32 : i32
    %swap3A = arith.constant 0 : i32
    %swap3A_25 = arith.index_cast %swap3A : i32 to index
    %swap3A_26 = arith.constant 0 : index
    %swap3A_27 = tpu.vector_load %arg13[%swap3A_25, %swap3A_26] {strides = array<i32>} : memref<2x16xf32, #tpu.memory_space<vmem>>, vector<16xf32>,
    tpu.vector_store %arg13[%swap3A_25, %swap3A_26], %scan3A_23#0 {strides = array<i32>} : memref<2x16xf32, #tpu.memory_space<vmem>>, vector<16xf32>,
    %swap3A_28 = arith.constant 1 : i32
    %swap3A_29 = arith.index_cast %swap3A_28 : i32 to index
    %swap3A_30 = arith.constant 0 : index
    %swap3A_31 = tpu.vector_load %arg13[%swap3A_29, %swap3A_30] {strides = array<i32>} : memref<2x16xf32, #tpu.memory_space<vmem>>, vector<16xf32>,
    tpu.vector_store %arg13[%swap3A_29, %swap3A_30], %scan3A_23#1 {strides = array<i32>} : memref<2x16xf32, #tpu.memory_space<vmem>>, vector<16xf32>,
    "tpu.region"() ({
      %run_scoped3A = tpu.sem_alloc : memref<!tpu.dma_semaphore, #tpu.memory_space<semaphore_mem>>
      %dma_start3A_32 = arith.constant 0 : i32
      %dma_start3A_33 = arith.constant 0 : i32
      %dma_start3A_34 = tpu.memref_slice %arg6[%add3A, %dma_start3A_32, %dma_start3A_33] : memref<32x2x16xf32, #tpu.memory_space<hbm>> -> memref<1x2x16xf32, #tpu.memory_space<hbm>>
      %dma_start3A_35 = tpu.memref_squeeze %dma_start3A_34 : memref<1x2x16xf32, #tpu.memory_space<hbm>> -> memref<2x16xf32, #tpu.memory_space<hbm>>
      %dma_start3A_36 = arith.constant 0 : i32
      %dma_start3A_37 = arith.constant 0 : i32
      %dma_start3A_38 = tpu.memref_slice %arg6[%add3A, %dma_start3A_36, %dma_start3A_37] : memref<32x2x16xf32, #tpu.memory_space<hbm>> -> memref<1x2x16xf32, #tpu.memory_space<hbm>>
      %dma_start3A_39 = tpu.memref_squeeze %dma_start3A_38 : memref<1x2x16xf32, #tpu.memory_space<hbm>> -> memref<2x16xf32, #tpu.memory_space<hbm>>
      tpu.enqueue_dma source(%arg13 : memref<2x16xf32, #tpu.memory_space<vmem>>) target(%dma_start3A_39 : memref<2x16xf32, #tpu.memory_space<hbm>>) target_semaphore(%run_scoped3A : memref<!tpu.dma_semaphore, #tpu.memory_space<semaphore_mem>>)
      %dma_wait3A_40 = arith.constant 0 : i32
      %dma_wait3A_41 = arith.constant 0 : i32
      %dma_wait3A_42 = tpu.memref_slice %arg6[%add3A, %dma_wait3A_40, %dma_wait3A_41] : memref<32x2x16xf32, #tpu.memory_space<hbm>> -> memref<1x2x16xf32, #tpu.memory_space<hbm>>
      %dma_wait3A_43 = tpu.memref_squeeze %dma_wait3A_42 : memref<1x2x16xf32, #tpu.memory_space<hbm>> -> memref<2x16xf32, #tpu.memory_space<hbm>>
      %dma_wait3A_44 = arith.constant 0 : i32
      %dma_wait3A_45 = arith.constant 0 : i32
      %dma_wait3A_46 = tpu.memref_slice %arg6[%add3A, %dma_wait3A_44, %dma_wait3A_45] : memref<32x2x16xf32, #tpu.memory_space<hbm>> -> memref<1x2x16xf32, #tpu.memory_space<hbm>>
      %dma_wait3A_47 = tpu.memref_squeeze %dma_wait3A_46 : memref<1x2x16xf32, #tpu.memory_space<hbm>> -> memref<2x16xf32, #tpu.memory_space<hbm>>
      tpu.wait_dma2 semaphore(%run_scoped3A : memref<!tpu.dma_semaphore, #tpu.memory_space<semaphore_mem>>) src(%arg13 : memref<2x16xf32, #tpu.memory_space<vmem>>) dst(%dma_wait3A_47 : memref<2x16xf32, #tpu.memory_space<hbm>>)
      tpu.yield
    }) : () -> ()
    return
  }
}

</mosaic_0001>

<sc_bundles>
// kernel: _sc_call.3.cloned.1.call-start
scs
__scs_entry_jumppad:
0x0: {  	(pc) =	sbr.rel $0x88, $3  }
0x1: {  	(tag) =	ssettag $0x0;
	lr =	simm.s32 $0x1  }
0x2: {  	[smem:$0x3F9D] =	sst lr;
	_ =	strace $0xD0000000  }
0x3: {  	_ = 	snop  }
0x4: {  	_ = 	snop  }
0x5: {  	_ = 	snop  }
0x6: {  	_ = 	snop  }
0x7: {  	_ = 	snop  }
__scs_overlays_trampoline_lowered:
0x8: {  	[smem:$0x3FAC] =	sst s0  }
0x9: {  	[smem:$0x3FAD] =	sst s1  }
0xa: {  	[smem:$0x3FAE] =	sst s2  }
0xb: {  	[smem:$0x3FAF] =	sst s3  }
0xc: {  	[smem:$0x3FB0] =	sst s4  }
0xd: {  	[smem:$0x3FB1] =	sst s5  }
0xe: {  	[smem:$0x3FB2] =	sst s6  }
0xf: {  	[smem:$0x3FB3] =	sst s7  }
0x10: {  	[smem:$0x3FB4] =	sst s8  }
0x11: {  	[smem:$0x3FB5] =	sst s9;
	s0 =	simm.s32 @!p0 $0x0  }
0x12: {  	s1 =	sld [smem:$0x3F9B];
	s0 =	simm.s32 @p0 $0x1  }
0x13: {  	[smem:$0x3FB6] =	sst s0;
	s0 =	simm.s32 @!p1 $0x0  }
0x14: {  	s2 =	sld [smem:$0x3F9A];
	s0 =	simm.s32 @p1 $0x1  }
0x15: {  	[smem:$0x3FB7] =	sst s0;
	s0 =	simm.s32 @!p2 $0x0  }
0x16: {  	s3 =	sld [smem:$0x3FDB];
	s0 =	simm.s32 @p2 $0x1  }
0x17: {  	s4 =	simm.s32 $0x1BF5;
	[smem:$0x3FB9] =	sst s0  }
0x18: {  	s0 =	sld [smem:$0x3F9C];
	_ =	swait.ge [sflag:s4], $0x0  }
0x19: {  	s7 =	sld [smem:$0x3F9D]  }
0x1a: {  	s8 =	sadd.s32 $0xFFFFE003, lr  }
0x1b: {  	s9 =	sadd.s32 $0xFFFFFEF7, lr;
	s5 =	simm.s32 $0xFFFFFFFF;
	p2 =	slt.u32 s8, $0xFFFFF086  }
0x1c: {  	p1 =	slt.u32 s9, $0xF7A;
	s5 =	simm.s32 @!p2 $0x0  }
0x1d: {  	s5 =	simm.s32 @p1 $0x1;
	p0 =	seq.s32 s7, s2  }
0x1e: {  	s7 =	smul.u32 @!p0 $0xF7A, s2;
	p2 =	seq.s32 @!p0 s5, $0x0  }
0x1f: {  	s9 =	smul.u32 $0xF7A, s1;
	s8 =	simm.s32 @!p0 $0x1BF5;
	p2 =	por !p2, p0  }
0x20: {  	[sflag:s8] =	ssyncset.s32 @!p0 $0xFFFFF086;
	s6 =	sadd.s32 @!p0 s3, s7;
	s7 =	simm.s32 @!p0 $0x108  }
0x21: {  	s3 =	sadd.s32 s3, s9;
	s6 =	sadd.s32 @!p0 $0x88, s6;
	s7 =	simm.s32 @p2 $0x1082  }
0x22: {  	[simem:s7], [sflag:s8] =	dma.local @!p0 [hbm:s6], $0xF7A  }
0x23: {  	s9 =	sor.u32 $0xD0000000, s2;
	s6 =	simm.s32 $0x108;
	_ =	swait.ge @!p0 [sflag:s8], $0x0  }
0x24: {  	s3 =	sadd.s32 $0x88, s3;
	s6 =	simm.s32 @!p1 $0x1082;
	[sflag:s4] =	ssyncset.s32 $0xFFFFF086  }
0x25: {  	[simem:s6], [sflag:s4] =	dma.local [hbm:s3], $0xF7A  }
0x26: {  	[smem:$0x3F9D] =	sst s1;
	(tag) =	ssettag s2;
	_ =	strace s9  }
0x27: {  	s1 =	sld [smem:$0x3FAD]  }
0x28: {  	s2 =	sld [smem:$0x3FAE]  }
0x29: {  	s4 =	sld [smem:$0x3FB0]  }
0x2a: {  	p0 =	seq.s32 s5, $0x0;
	s5 =	sld [smem:$0x3FB1]  }
0x2b: {  	s6 =	sld [smem:$0x3FB2]  }
0x2c: {  	s7 =	sld [smem:$0x3FB3]  }
0x2d: {  	s3 =	simm.s32 $0x108;
	s8 =	sld [smem:$0x3FB4]  }
0x2e: {  	s3 =	simm.s32 @!p0 $0x1082;
	s9 =	sld [smem:$0x3FB5]  }
0x2f: {  	lr =	sadd.s32 s0, s3;
	s0 =	sld [smem:$0x3FAC]  }
0x30: {  	s3 =	sld [smem:$0x3FAF]  }
0x31: {  	[smem:$0x3FB8] =	sst s10  }
0x32: {  	s10 =	sld [smem:$0x3FB6];
	_ =	sdelay $0x3  }
0x33: {  	p0 =	seq.s32 s10, $0x1;
	s10 =	sld [smem:$0x3FB8];
	_ =	sdelay $0x3  }
0x34: {  	[smem:$0x3FB8] =	sst s10  }
0x35: {  	s10 =	sld [smem:$0x3FB7];
	_ =	sdelay $0x3  }
0x36: {  	p1 =	seq.s32 s10, $0x1;
	s10 =	sld [smem:$0x3FB8];
	_ =	sdelay $0x3  }
0x37: {  	[smem:$0x3FB8] =	sst s10  }
0x38: {  	s10 =	sld [smem:$0x3FB9]  }
0x39: {  	_ = 	snop;
	(pc) =	sbr.ind lr, $3  }
0x3a: {  	_ = 	snop  }
0x3b: {  	_ = 	snop  }
0x3c: {  	p2 =	seq.s32 s10, $0x1;
	s10 =	sld [smem:$0x3FB8]  }
0x3d: {  	_ =	shalt  }
0x3e: {  	_ =	shalt  }
0x3f: {  	_ =	shalt  }
0x40: {  	_ =	shalt  }
0x41: {  	_ =	shalt  }
0x42: {  	_ =	shalt  }
0x43: {  	_ =	shalt  }
0x44: {  	_ =	shalt  }
0x45: {  	_ =	shalt  }
0x46: {  	_ =	shalt  }
0x47: {  	_ =	shalt  }
0x48: {  	_ =	shalt  }
0x49: {  	_ =	shalt  }
0x4a: {  	_ =	shalt  }
0x4b: {  	_ =	shalt  }
0x4c: {  	_ =	shalt  }
0x4d: {  	_ =	shalt  }
0x4e: {  	_ =	shalt  }
0x4f: {  	_ =	shalt  }
0x50: {  	_ =	shalt  }
0x51: {  	_ =	shalt  }
0x52: {  	_ =	shalt  }
0x53: {  	_ =	shalt  }
0x54: {  	_ =	shalt  }
0x55: {  	_ =	shalt  }
0x56: {  	_ =	shalt  }
0x57: {  	_ =	shalt  }
0x58: {  	_ =	shalt  }
0x59: {  	_ =	shalt  }
0x5a: {  	_ =	shalt  }
0x5b: {  	_ =	shalt  }
0x5c: {  	_ =	shalt  }
0x5d: {  	_ =	shalt  }
0x5e: {  	_ =	shalt  }
0x5f: {  	_ =	shalt  }
0x60: {  	_ =	shalt  }
0x61: {  	_ =	shalt  }
0x62: {  	_ =	shalt  }
0x63: {  	_ =	shalt  }
0x64: {  	_ =	shalt  }
0x65: {  	_ =	shalt  }
0x66: {  	_ =	shalt  }
0x67: {  	_ =	shalt  }
0x68: {  	_ =	shalt  }
0x69: {  	_ =	shalt  }
0x6a: {  	_ =	shalt  }
0x6b: {  	_ =	shalt  }
0x6c: {  	_ =	shalt  }
0x6d: {  	_ =	shalt  }
0x6e: {  	_ =	shalt  }
0x6f: {  	_ =	shalt  }
0x70: {  	_ =	shalt  }
0x71: {  	_ =	shalt  }
0x72: {  	_ =	shalt  }
0x73: {  	_ =	shalt  }
0x74: {  	_ =	shalt  }
0x75: {  	_ =	shalt  }
0x76: {  	_ =	shalt  }
0x77: {  	_ =	shalt  }
0x78: {  	_ =	shalt  }
0x79: {  	_ =	shalt  }
0x7a: {  	_ =	shalt  }
0x7b: {  	_ =	shalt  }
0x7c: {  	_ =	shalt  }
0x7d: {  	_ =	shalt  }
0x7e: {  	_ =	shalt  }
0x7f: {  	_ =	shalt  }
0x80: {  	_ =	shalt  }
0x81: {  	_ =	shalt  }
0x82: {  	_ =	shalt  }
0x83: {  	_ =	shalt  }
0x84: {  	_ =	shalt  }
0x85: {  	_ =	shalt  }
0x86: {  	_ =	shalt  }
0x87: {  	_ =	shalt  }
.Lfunc_end0:
.L_simem_size_0:
called_computation_lowered:
.L_overlay_start_0:
0x88: {  	s2 =	sld [smem:$0x3FD9]  }
0x89: {  	s3 =	sld [smem:$0x3FFE];
	_ =	sdelay $0x1  }
0x8a: {  	s1 =	srdreg.scid  }
0x8b: {  	s0 =	sand.u32 $0x1, s1  }
0x8c: {  	s17 =	sshll.u32 s0, $0xA;
	s2 =	sadd.s32 s3, s2  }
0x8d: {  	s2 =	sadd.s32 s2, s17  }
0x8e: {  	[smem:$0x3FC4] =	sst s2  }
0x8f: {  	_ = 	snop  }
0x90: {  	s2 =	sld [smem:$0x3FC9]  }
0x91: {  	s18 =	sld [smem:$0x3FC8]  }
0x92: {  	s4 =	sld [smem:$0x3FC7]  }
0x93: {  	s5 =	sld [smem:$0x3FD0];
	(tm) =	ssettm $0x1  }
0x94: {  	s6 =	sld [smem:$0x3FFB];
	_ =	sdelay $0x3  }
0x95: {  	_ =	strace s6  }
0x96: {  	s6 =	sld [smem:$0x3FFC];
	_ =	sdelay $0x3  }
0x97: {  	_ =	strace s6  }
0x98: {  	s6 =	sld [smem:$0x3FFD];
	_ =	sdelay $0x3  }
0x99: {  	_ =	strace s6  }
0x9a: {  	_ =	strace $0x8FFFFFFF  }
0x9b: {  	s19 =	sld [smem:$0x3FDB];
	_ =	sdelay $0x1  }
0x9c: {  	s7 =	simm.s32 $_scs_section_size  }
0x9d: {  	s8 =	simm.s32 $_size__tile_overlayer_lowered;
	s9 =	simm.s32 $_tile_overlayer_lowered  }
0x9e: {  	s22 =	simm.s32 $0x1BFF;
	s21 =	sshll.u32 s9, $0x1;
	s6 =	sadd.s32 s7, s19  }
0x9f: {  	s10 =	simm.s32 $0x0;
	s20 =	sshll.u32 s8, $0x1;
	s8 =	sadd.s32 s21, s6  }
0xa0: {  	[timem:s10], [sflag:s22] =	dma.local [hbm:s8], s20  }
0xa1: {  	_ =	swait.ge [sflag:s22], s20  }
0xa2: {  	s7 =	ssub.s32 $0x0, s20;
	[sflag:s22] =	ssyncset.done $0x0  }
0xa3: {  	[sflag:s22] =	ssyncadd.s32 s7;
	_ =	sdelay $0x1  }
0xa4: {  	s23 =	simm.s32 $0x1B8B  }
0xa5: {  	_ =	swait.ge [sflag:s23], $0x1  }
0xa6: {  	[sflag:s23] =	ssyncset.done $0x0  }
0xa7: {  	s25 =	simm.s32 $0x1B8E;
	s24 =	sld [smem:$0x3FFE];
	[sflag:s23] =	ssyncadd.s32 $0xFFFFFFFF  }
0xa8: {  	s26 =	simm.s32 $execute0_lowered;
	[smem:$0x3FD2] =	sst s25  }
0xa9: {  	s8 =	sshll.u32 s26, $0x1;
	_ =	strace $0x80000046;
	[dreg:$0x1] =	wrdreg $0xFFFFFFFF  }
0xaa: {  	s28 =	simm.s32 $_size_execute0_lowered;
	s6 =	sadd.s32 s6, s8;
	[dreg:$0x0] =	wrdreg $0x0  }
0xab: {  	s8 =	sshll.u32 s28, $0x1;
	[dreg:$0x2] =	wrdreg s6  }
0xac: {  	[dreg:$0x3] =	wrdreg s8  }
0xad: {  	[dreg:$0x4] =	wrdreg $0xC0  }
0xae: {  	_ =	task [dreg:s10], $0x5FFFF  }
0xaf: {  	[dreg:$0x1] =	wrdreg $0xFFFFFFFF  }
0xb0: {  	[dreg:$0x0] =	wrdreg $0x60  }
0xb1: {  	[dreg:$0x2] =	wrdreg s2  }
0xb2: {  	[dreg:$0x3] =	wrdreg s18  }
0xb3: {  	[dreg:$0x4] =	wrdreg s4  }
0xb4: {  	[dreg:$0x5] =	wrdreg s24  }
0xb5: {  	[dreg:$0x6] =	wrdreg s5  }
0xb6: {  	[dreg:$0x7] =	wrdreg $0x9  }
0xb7: {  	_ =	task.clear_ibuf [dreg:s10], $0x8FFFF;
	_ =	strace $0x90000046  }
0xb8: {  	s29 =	simm.s32 $0x9;
	_ =	strace $0x80000048  }
0xb9: {  	_ =	swait.ge [sflag:s29], $0x1  }
0xba: {  	[sflag:s29] =	ssyncadd.s32 $0xFFFFFFFF  }
0xbb: {  	_ =	strace $0x90000048  }
0xbc: {  	_ =	sfence  }
0xbd: {  	s30 =	sld [smem:$0x0];
	_ =	sdelay $0x2  }
0xbe: {  	s31 =	sshll.u32 s1, $0xD;
	s1 =	sshrl.u32 s1, $0x2  }
0xbf: {  	s3 =	sand.u32 $0x4000, s31;
	s1 =	sadd.s32 s1, s30  }
0xc0: {  	s0 =	sor.u32 s3, s0;
	s1 =	sshll.u32 s1, $0x11  }
0xc1: {  	s0 =	sor.u32 s1, s0  }
0xc2: {  	s0 =	sadd.s32 $0x8F2B, s0  }
0xc3: {  	[sflag:s0] =	ssyncadd.remote.s32 $0x1  }
0xc4: {  	_ =	sfence.sel $0xFFFF  }
0xc5: {  	[dreg:$0x0] =	wrdreg $0xFFFFFFFF;
	(pc) =	sbr.abs _section_cstart, $3  }
0xc6: {  	[dreg:$0x1] =	wrdreg $0xFFFFFFFF  }
0xc7: {  	_ =	task.clear_ibuf [dreg:s10], $0x2FFFF;
	_ =	strace $0x9FFFFFFF  }
0xc8: {  	(tm) =	ssettm $0x7FFFFFFF  }
0xc9: {  	_ =	shalt  }
tec
execute0_lowered:
.L_overlay_start_1:
0x0: {  	(tag) =	ssettag $0x1  }
0x1: {  	s4 =	rddreg [dreg:$0x0]  }
0x2: {  	s5 =	rddreg [dreg:$0x1]  }
0x3: {  	s6 =	rddreg [dreg:$0x2]  }
0x4: {  	s3 =	rddreg [dreg:$0x3]  }
0x5: {  	s7 =	rddreg [dreg:$0x4]  }
0x6: {  	s0 =	rddreg [dreg:$0x5];
	s8 =	srdreg.scid  }
0x7: {  	s2 =	simm.s32 $0x0;
	s1 =	stileid.u32;
	s12 =	simm.s32 $0x600  }
0x8: {  	s13 =	simm.s32 $0x2600;
	s14 =	simm.s32 $0x4600;
	s15 =	simm.s32 $0x1  }
0x9: {  	s16 =	simm.s32 $0x6600;
	s17 =	simm.s32 $0x0;
	s8 =	sand.u32 $0x1, s8  }
0xa: {  	[smem:$0x7FF] =	sst s2;
	s10 =	sshll.u32 s1, $0x1;
	s3 =	sadd.s32 $0xF42800, s3  }
0xb: {  	s9 =	ssub.s32 $0x2, s8;
	_ =	strace $0x80000047;
	s8 =	sor.u32 s8, s10  }
0xc: {  	s11 =	sshrl.u32 s9, $0x1;
	s10 =	sshll.u32 s8, $0x6;
	s8 =	sshll.u32 s8, $0x2  }
0xd: {  	s9 =	ssub.s32 s9, s11;
	s4 =	sadd.s32 s4, s10;
	s5 =	sadd.s32 s5, s10  }
0xe: {  	v0 =	vlaneseq.u32;
	s6 =	sadd.s32 s6, s10;
	s7 =	sadd.s32 s7, s8;
	s10 =	simm.s32 $0x200  }
0xf: {  	v0 =	vmul.u32 $0x10, v0;
	s11 =	simm.s32 $0x400;
	s8 =	smax.u32 s9, $0x1;
	s9 =	simm.s32 $0x2  }
.LBB2_1:
0x10: {  	[tilespmem:s2], [sflag:$0x2] =	stream.linear.gather [hbm4b:s4+s2], $0x200, $0x38;
	[tilespmem:$0x6620] =	vst v63  }
0x11: {  	_ =	swait.ge [sflag:s9], $0x200  }
0x12: {  	[sflag:s9] =	ssyncset.done $0x0  }
0x13: {  	[sflag:s9] =	ssyncadd.s32 $0xFFFFFE00  }
0x14: {  	[tilespmem:s10], [sflag:$0x2] =	stream.linear.gather [hbm4b:s5+s2], $0x200, $0x38;
	[tilespmem:$0x6620] =	vst v63  }
0x15: {  	_ =	swait.ge [sflag:s9], $0x200  }
0x16: {  	[sflag:s9] =	ssyncset.done $0x0  }
0x17: {  	[sflag:s9] =	ssyncadd.s32 $0xFFFFFE00  }
0x18: {  	[tilespmem:s11], [sflag:$0x2] =	stream.linear.gather [hbm4b:s6+s2], $0x200, $0x38;
	[tilespmem:$0x6620] =	vst v63  }
0x19: {  	_ =	swait.ge [sflag:s9], $0x200  }
0x1a: {  	[sflag:s9] =	ssyncset.done $0x0  }
0x1b: {  	[sflag:s9] =	ssyncadd.s32 $0xFFFFFE00  }
0x1c: {  	[tilespmem:s12], [sflag:$0x1] =	stream.indirect.gather [hbm4b:s3+s10], $0x10, s2, s10, $0xb8;
	[tilespmem:$0x6620] =	vst v63  }
0x1d: {  	_ = 	snop  }
0x1e: {  	[tilespmem:s13], [sflag:$0x1] =	stream.indirect.gather [hbm4b:s3+s10], $0x10, s10, s10, $0xb8;
	[tilespmem:$0x6620] =	vst v63  }
0x1f: {  	_ = 	snop  }
0x20: {  	[tilespmem:s14], [sflag:$0x1] =	stream.indirect.gather [hbm4b:s3+s10], $0x10, s11, s10, $0xb8;
	[tilespmem:$0x6620] =	vst v63  }
0x21: {  	_ =	swait.ge [sflag:s15], $0x2000  }
0x22: {  	[sflag:s15] =	ssyncset.done $0x0  }
0x23: {  	v1 =	vmov s2;
	[sflag:s15] =	ssyncadd.s32 $0xFFFFE000  }
0x24: {  	v1 =	vshll.u32 v1, $0x4;
	_ =	swait.ge [sflag:s15], $0x2000  }
0x25: {  	v13 =	vor.u32 v0, v1;
	[sflag:s15] =	ssyncset.done $0x0  }
0x26: {  	[sflag:s15] =	ssyncadd.s32 $0xFFFFE000  }
0x27: {  	_ =	swait.ge [sflag:s15], $0x2000  }
0x28: {  	v9 =	vor.u32 $0xE, v13;
	[sflag:s15] =	ssyncset.done $0x0  }
0x29: {  	v11 =	vor.u32 $0xD, v13;
	[sflag:s15] =	ssyncadd.s32 $0xFFFFE000  }
0x2a: {  	v16 =	vor.u32 $0xC, v13;
	v15 =	vld.idx.msk [tilespmem:v13+s12+$0x0], $0xffff  }
0x2b: {  	v18 =	vor.u32 $0xB, v13;
	v17 =	vld.idx.msk [tilespmem:v13+s13+$0x0], $0xffff  }
0x2c: {  	v20 =	vor.u32 $0xA, v13;
	v19 =	vld.idx.msk [tilespmem:v13+s14+$0x0], $0xffff  }
0x2d: {  	v21 =	vor.u32 $0x9, v13;
	v3 =	vld.idx.msk [tilespmem:v9+s12+$0x0], $0xffff  }
0x2e: {  	v22 =	vor.u32 $0x8, v13;
	v5 =	vld.idx.msk [tilespmem:v11+s12+$0x0], $0xffff  }
0x2f: {  	v23 =	vor.u32 $0x7, v13;
	v10 =	vld.idx.msk [tilespmem:v16+s12+$0x0], $0xffff  }
0x30: {  	v24 =	vor.u32 $0x6, v13;
	v12 =	vld.idx.msk [tilespmem:v18+s12+$0x0], $0xffff  }
0x31: {  	v25 =	vor.u32 $0x5, v13;
	v26 =	vld.idx.msk [tilespmem:v20+s12+$0x0], $0xffff  }
0x32: {  	v27 =	vor.u32 $0x4, v13;
	v28 =	vld.idx.msk [tilespmem:v21+s12+$0x0], $0xffff  }
0x33: {  	v29 =	vor.u32 $0x3, v13;
	v30 =	vld.idx.msk [tilespmem:v22+s12+$0x0], $0xffff  }
0x34: {  	v31 =	vor.u32 $0x2, v13;
	v32 =	vld.idx.msk [tilespmem:v23+s12+$0x0], $0xffff  }
0x35: {  	v1 =	vor.u32 $0x1, v13;
	v33 =	vld.idx.msk [tilespmem:v24+s12+$0x0], $0xffff  }
0x36: {  	v34 =	vld.idx.msk [tilespmem:v25+s12+$0x0], $0xffff  }
0x37: {  	v35 =	vld.idx.msk [tilespmem:v27+s12+$0x0], $0xffff  }
0x38: {  	v37 =	vld.idx.msk [tilespmem:v29+s12+$0x0], $0xffff  }
0x39: {  	v40 =	vld.idx.msk [tilespmem:v31+s12+$0x0], $0xffff  }
0x3a: {  	v41 =	vld.idx.msk [tilespmem:v1+s12+$0x0], $0xffff  }
0x3b: {  	v42 =	vld.idx.msk [tilespmem:v1+s13+$0x0], $0xffff  }
0x3c: {  	v44 =	vld.idx.msk [tilespmem:v1+s14+$0x0], $0xffff  }
0x3d: {  	v46 =	vld.idx.msk [tilespmem:v31+s13+$0x0], $0xffff  }
0x3e: {  	v31 =	vld.idx.msk [tilespmem:v31+s14+$0x0], $0xffff;
	v36 =	vmul.f32 v15, v15;
	v38 =	vmul.f32 v17, v17  }
0x3f: {  	v50 =	vld.idx.msk [tilespmem:v29+s13+$0x0], $0xffff;
	v39 =	vmul.f32 v19, v19;
	v2 =	vmul.f32 v10, v10  }
0x40: {  	v29 =	vld.idx.msk [tilespmem:v29+s14+$0x0], $0xffff;
	v4 =	vmul.f32 v12, v12;
	v8 =	vmul.f32 v26, v26  }
0x41: {  	v58 =	vld.idx.msk [tilespmem:v24+s13+$0x0], $0xffff;
	v7 =	vmul.f32 v5, v5;
	v14 =	vmul.f32 v28, v28  }
0x42: {  	v24 =	vld.idx.msk [tilespmem:v24+s14+$0x0], $0xffff;
	v43 =	vmul.f32 v30, v30;
	v45 =	vmul.f32 v32, v32  }
0x43: {  	v1 =	vimm.f32 $0.0e+00;
	v61 =	vld.idx.msk [tilespmem:v23+s13+$0x0], $0xffff;
	v6 =	vmul.f32 v3, v3;
	v47 =	vmul.f32 v34, v34  }
0x44: {  	v23 =	vld.idx.msk [tilespmem:v23+s14+$0x0], $0xffff;
	v13 =	vor.u32 $0xF, v13;
	v48 =	vmul.f32 v35, v35;
	v62 =	vmul.f32 v41, v41  }
0x45: {  	v17 =	vsub.f32 v17, v19;
	v63 =	vmul.f32 v42, v42;
	v51 =	vmul.f32 v40, v40  }
0x46: {  	v52 =	vld.idx.msk [tilespmem:v27+s13+$0x0], $0xffff;
	v54 =	vmul.f32 v44, v44;
	v55 =	vmul.f32 v46, v46;
	v57 =	vsub.f32 v46, v31  }
0x47: {  	v27 =	vld.idx.msk [tilespmem:v27+s14+$0x0], $0xffff;
	v59 =	vsub.f32 v50, v29;
	v15 =	vmul.f32 v17, v15;
	v17 =	vsub.f32 v42, v44  }
0x48: {  	v60 =	vmul.f32 v50, v50;
	v50 =	vsub.f32 v58, v24;
	v36 =	vadd.f32 v38, v36  }
0x49: {  	v56 =	vld.idx.msk [tilespmem:v25+s13+$0x0], $0xffff;
	v53 =	vsub.f32 v61, v23;
	v15 =	vadd.f32 $0.0e+00, v15;
	v17 =	vmul.f32 v17, v41  }
0x4a: {  	v25 =	vld.idx.msk [tilespmem:v25+s14+$0x0], $0xffff;
	v31 =	vmul.f32 v31, v31;
	v19 =	vadd.f32 v39, v36;
	v36 =	vadd.f32 v63, v62  }
0x4b: {  	v39 =	vadd.f32 v55, v51;
	v15 =	vadd.f32 v17, v15;
	v17 =	vmul.f32 v57, v40  }
0x4c: {  	v49 =	vmul.f32 v37, v37;
	v62 =	vsub.f32 v52, v27;
	v36 =	vadd.f32 v54, v36  }
0x4d: {  	v31 =	vadd.f32 v31, v39;
	v15 =	vadd.f32 v17, v15;
	v17 =	vmul.f32 v59, v37  }
0x4e: {  	v29 =	vmul.f32 v29, v29;
	v46 =	vld.idx.msk [tilespmem:v22+s13+$0x0], $0xffff;
	v19 =	vadd.f32 v36, v19;
	v36 =	vadd.f32 v60, v49  }
0x4f: {  	v22 =	vld.idx.msk [tilespmem:v22+s14+$0x0], $0xffff;
	v49 =	vsub.f32 v56, v25;
	v15 =	vadd.f32 v17, v15;
	v17 =	vmul.f32 v62, v35  }
0x50: {  	v63 =	vmul.f32 v52, v52;
	v52 =	vld.idx.msk [tilespmem:v20+s13+$0x0], $0xffff;
	v19 =	vadd.f32 v31, v19;
	v29 =	vadd.f32 v29, v36  }
0x51: {  	v24 =	vmul.f32 v24, v24;
	v31 =	vld.idx.msk [tilespmem:v21+s13+$0x0], $0xffff;
	v15 =	vadd.f32 v17, v15;
	v17 =	vmul.f32 v49, v34  }
0x52: {  	v27 =	vmul.f32 v27, v27;
	v21 =	vld.idx.msk [tilespmem:v21+s14+$0x0], $0xffff;
	v19 =	vadd.f32 v29, v19;
	v29 =	vadd.f32 v63, v48  }
0x53: {  	v38 =	vmul.f32 v33, v33;
	v20 =	vld.idx.msk [tilespmem:v20+s14+$0x0], $0xffff;
	v15 =	vadd.f32 v17, v15;
	v17 =	vmul.f32 v50, v33  }
0x54: {  	v51 =	vmul.f32 v56, v56;
	v55 =	vsub.f32 v46, v22;
	v54 =	vld.idx.msk [tilespmem:v18+s13+$0x0], $0xffff;
	v27 =	vadd.f32 v27, v29  }
0x55: {  	v18 =	vld.idx.msk [tilespmem:v18+s14+$0x0], $0xffff;
	v25 =	vmul.f32 v25, v25;
	v15 =	vadd.f32 v17, v15;
	v17 =	vmul.f32 v53, v32  }
0x56: {  	v57 =	vld.idx.msk [tilespmem:v16+s14+$0x0], $0xffff;
	v29 =	vadd.f32 v51, v47;
	v19 =	vadd.f32 v27, v19;
	v27 =	vmul.f32 v58, v58  }
0x57: {  	v56 =	vld.idx.msk [tilespmem:v16+s13+$0x0], $0xffff;
	v15 =	vadd.f32 v17, v15;
	v17 =	vmul.f32 v55, v30;
	v30 =	vsub.f32 v31, v21  }
0x58: {  	v23 =	vmul.f32 v23, v23;
	v16 =	vadd.f32 v25, v29;
	v29 =	vld.idx.msk [tilespmem:v13+s13+$0x0], $0xffff;
	v25 =	vadd.f32 v27, v38  }
0x59: {  	v27 =	vld.idx.msk [tilespmem:v11+s13+$0x0], $0xffff;
	v15 =	vadd.f32 v17, v15;
	v17 =	vmul.f32 v30, v28;
	v28 =	vsub.f32 v52, v20  }
0x5a: {  	v11 =	vld.idx.msk [tilespmem:v11+s14+$0x0], $0xffff;
	v16 =	vadd.f32 v16, v19;
	v19 =	vadd.f32 v24, v25;
	v24 =	vmul.f32 v61, v61  }
0x5b: {  	v32 =	vmul.f32 v57, v57;
	v25 =	vld.idx.msk [tilespmem:v9+s13+$0x0], $0xffff;
	v15 =	vadd.f32 v17, v15;
	v17 =	vmul.f32 v28, v26  }
0x5c: {  	v26 =	vsub.f32 v54, v18;
	v28 =	vld.idx.msk [tilespmem:v9+s14+$0x0], $0xffff;
	v9 =	vadd.f32 v24, v45;
	v24 =	vmul.f32 v46, v46  }
0x5d: {  	s18 =	simm.s32 $0x10;
	v30 =	vld.idx.msk [tilespmem:v13+s12+$0x0], $0xffff;
	v16 =	vadd.f32 v19, v16;
	v19 =	vmul.f32 v22, v22;
	v15 =	vadd.f32 v17, v15  }
0x5e: {  	v12 =	vmul.f32 v26, v12;
	v17 =	vsub.f32 v56, v57;
	v26 =	vld.idx.msk [tilespmem:v13+s14+$0x0], $0xffff;
	v13 =	vmov s18  }
0x5f: {  	v22 =	vmul.f32 v31, v31;
	v9 =	vadd.f32 v23, v9;
	v13 =	vshll.u32 v13, $0x4  }
0x60: {  	v12 =	vadd.f32 v12, v15;
	v10 =	vmul.f32 v17, v10;
	v15 =	vsub.f32 v27, v11  }
0x61: {  	v17 =	vadd.f32 v24, v43;
	v9 =	vadd.f32 v9, v16;
	v16 =	vmul.f32 v52, v52  }
0x62: {  	v13 =	vor.u32 v0, v13;
	v27 =	vmul.f32 v27, v27;
	v11 =	vmul.f32 v11, v11  }
0x63: {  	v23 =	vor.u32 $0xA, v13;
	v36 =	vor.u32 $0x8, v13;
	v37 =	vor.u32 $0x9, v13  }
0x64: {  	v38 =	vor.u32 $0x7, v13;
	v33 =	vor.u32 $0x6, v13;
	v40 =	vor.u32 $0x5, v13  }
0x65: {  	v42 =	vor.u32 $0x4, v13;
	v45 =	vor.u32 $0x3, v13;
	v63 =	vor.u32 $0x2, v13  }
0x66: {  	v59 =	vor.u32 $0x1, v13;
	v10 =	vadd.f32 v10, v12;
	v12 =	vsub.f32 v25, v28  }
0x67: {  	v5 =	vmul.f32 v15, v5;
	v15 =	vadd.f32 v19, v17;
	v8 =	vadd.f32 v16, v8;
	v31 =	vld.idx.msk [tilespmem:v13+s12+$0x0], $0xffff  }
0x68: {  	v7 =	vadd.f32 v27, v7;
	v25 =	vmul.f32 v25, v25;
	v28 =	vmul.f32 v28, v28;
	v34 =	vld.idx.msk [tilespmem:v13+s13+$0x0], $0xffff  }
0x69: {  	v5 =	vadd.f32 v5, v10;
	v3 =	vmul.f32 v12, v3;
	v10 =	vsub.f32 v29, v26;
	v35 =	vld.idx.msk [tilespmem:v13+s14+$0x0], $0xffff  }
0x6a: {  	v12 =	vadd.f32 v22, v14;
	v14 =	vmul.f32 v21, v21;
	v15 =	vadd.f32 v15, v9;
	v21 =	vld.idx.msk [tilespmem:v23+s12+$0x0], $0xffff  }
0x6b: {  	v9 =	vor.u32 $0xE, v13;
	v22 =	vmul.f32 v18, v18;
	v7 =	vadd.f32 v11, v7;
	v24 =	vld.idx.msk [tilespmem:v37+s12+$0x0], $0xffff  }
0x6c: {  	v6 =	vadd.f32 v25, v6;
	v3 =	vadd.f32 v3, v5;
	v5 =	vmul.f32 v10, v30;
	v46 =	vld.idx.msk [tilespmem:v36+s12+$0x0], $0xffff  }
0x6d: {  	v29 =	vmul.f32 v29, v29;
	v26 =	vmul.f32 v26, v26;
	v12 =	vadd.f32 v14, v12;
	v48 =	vld.idx.msk [tilespmem:v38+s12+$0x0], $0xffff  }
0x6e: {  	v14 =	vmul.f32 v20, v20;
	v10 =	vor.u32 $0xD, v13;
	v50 =	vld.idx.msk [tilespmem:v33+s12+$0x0], $0xffff;
	v3 =	vadd.f32 v5, v3  }
0x6f: {  	v20 =	vor.u32 $0xB, v13;
	v43 =	vld.idx.msk [tilespmem:v40+s12+$0x0], $0xffff;
	v30 =	vmul.f32 v30, v30;
	v6 =	vadd.f32 v28, v6  }
0x70: {  	v51 =	vld.idx.msk [tilespmem:v42+s12+$0x0], $0xffff;
	v5 =	vadd.f32 v12, v15;
	v12 =	vmul.f32 v54, v54;
	v16 =	vmul.f32 v3, v3  }
0x71: {  	v52 =	vld.idx.msk [tilespmem:v45+s12+$0x0], $0xffff;
	v15 =	vor.u32 $0xC, v13;
	v14 =	vadd.f32 v14, v8;
	v3 =	vmul.f32 $5.000000000e-01, v3  }
0x72: {  	v53 =	vld.idx.msk [tilespmem:v63+s12+$0x0], $0xffff;
	v29 =	vadd.f32 v29, v30;
	v17 =	vmul.f32 $-1.250000000e-01, v16;
	v19 =	vmul.f32 v16, v16  }
0x73: {  	v55 =	vld.idx.msk [tilespmem:v59+s13+$0x0], $0xffff;
	v4 =	vadd.f32 v12, v4;
	v58 =	vadd.f32 v14, v5;
	v5 =	vmul.f32 v56, v56  }
0x74: {  	v11 =	vld.idx.msk [tilespmem:v59+s14+$0x0], $0xffff;
	v3 =	vadd.f32 v17, v3;
	v17 =	vmul.f32 $5.208333490e-03, v19;
	v19 =	vmul.f32 v19, v16  }
0x75: {  	v25 =	vld.idx.msk [tilespmem:v63+s13+$0x0], $0xffff;
	v13 =	vor.u32 $0xF, v13;
	v60 =	vmul.f32 v35, v35;
	v54 =	vmul.f32 v48, v48  }
0x76: {  	v8 =	vld.idx.msk [tilespmem:v9+s12+$0x0], $0xffff;
	v4 =	vadd.f32 v22, v4;
	v22 =	vadd.f32 v5, v2;
	v14 =	vmul.f32 $-3.472222310e-04, v19  }
0x77: {  	v28 =	vld.idx.msk [tilespmem:v45+s13+$0x0], $0xffff;
	v3 =	vadd.f32 v17, v3;
	v17 =	vmul.f32 v31, v31;
	v19 =	vmul.f32 v34, v34  }
0x78: {  	v12 =	vld.idx.msk [tilespmem:v10+s12+$0x0], $0xffff;
	v44 =	vmul.f32 v50, v50;
	v49 =	vmul.f32 v51, v51;
	v39 =	vadd.f32 v4, v58  }
0x79: {  	v18 =	vld.idx.msk [tilespmem:v20+s12+$0x0], $0xffff;
	v56 =	vmul.f32 v52, v52;
	v32 =	vadd.f32 v32, v22;
	v62 =	vadd.f32 v19, v17  }
0x7a: {  	v45 =	vld.idx.msk [tilespmem:v45+s14+$0x0], $0xffff;
	v30 =	vmul.f32 v55, v55;
	v22 =	vmul.f32 v46, v46;
	v61 =	vadd.f32 v14, v3  }
0x7b: {  	v4 =	vmul.f32 v8, v8;
	v32 =	vadd.f32 v32, v39;
	v27 =	vadd.f32 v60, v62;
	v60 =	vld.idx.msk [tilespmem:v59+s12+$0x0], $0xffff  }
0x7c: {  	v58 =	vmul.f32 v11, v11;
	v34 =	vsub.f32 v34, v35;
	v2 =	vadd.f32 v61, v1;
	v61 =	vld.idx.msk [tilespmem:v63+s14+$0x0], $0xffff  }
0x7d: {  	v57 =	vsub.f32 v55, v11;
	v16 =	vld.idx.msk [tilespmem:v15+s12+$0x0], $0xffff;
	v5 =	vmul.f32 v12, v12;
	v39 =	vmul.f32 v43, v43  }
0x7e: {  	v47 =	vld.idx.msk [tilespmem:v36+s13+$0x0], $0xffff;
	v14 =	vmul.f32 v18, v18;
	v7 =	vadd.f32 v7, v32;
	v31 =	vmul.f32 v34, v31  }
0x7f: {  	v36 =	vld.idx.msk [tilespmem:v36+s14+$0x0], $0xffff;
	v11 =	vadd.f32 v26, v29;
	v17 =	vmul.f32 v21, v21;
	v62 =	vmul.f32 v53, v53  }
0x80: {  	v7 =	vadd.f32 v6, v7;
	v6 =	vld.idx.msk [tilespmem:v42+s13+$0x0], $0xffff;
	v59 =	vmul.f32 v25, v25;
	v29 =	vadd.f32 $0.0e+00, v31  }
0x81: {  	v42 =	vld.idx.msk [tilespmem:v42+s14+$0x0], $0xffff;
	v63 =	vmul.f32 v60, v60;
	v31 =	vmul.f32 v57, v60;
	v25 =	vsub.f32 v25, v61  }
0x82: {  	v26 =	vld.idx.msk [tilespmem:v40+s13+$0x0], $0xffff;
	v19 =	vmul.f32 v24, v24;
	v3 =	vmul.f32 v16, v16;
	v35 =	vadd.f32 v59, v62  }
0x83: {  	v60 =	vld.idx.msk [tilespmem:v40+s14+$0x0], $0xffff;
	v30 =	vadd.f32 v30, v63;
	v29 =	vadd.f32 v31, v29;
	v25 =	vmul.f32 v25, v53  }
0x84: {  	v32 =	vmul.f32 v61, v61;
	v61 =	vld.idx.msk [tilespmem:v33+s13+$0x0], $0xffff;
	v31 =	vsub.f32 v28, v45;
	v28 =	vmul.f32 v28, v28  }
0x85: {  	v33 =	vld.idx.msk [tilespmem:v33+s14+$0x0], $0xffff;
	v45 =	vmul.f32 v45, v45;
	v30 =	vadd.f32 v58, v30;
	v25 =	vadd.f32 v25, v29  }
0x86: {  	v62 =	vld.idx.msk [tilespmem:v38+s13+$0x0], $0xffff;
	v29 =	vmul.f32 v31, v52;
	v31 =	vsub.f32 v6, v42;
	v28 =	vadd.f32 v28, v56  }
0x87: {  	v63 =	vld.idx.msk [tilespmem:v38+s14+$0x0], $0xffff;
	v6 =	vmul.f32 v6, v6;
	v27 =	vadd.f32 v30, v27;
	v30 =	vadd.f32 v32, v35  }
0x88: {  	v55 =	vld.idx.msk [tilespmem:v20+s13+$0x0], $0xffff;
	v25 =	vadd.f32 v29, v25;
	v29 =	vmul.f32 v31, v51;
	v31 =	vsub.f32 v26, v60  }
0x89: {  	v53 =	vld.idx.msk [tilespmem:v23+s13+$0x0], $0xffff;
	v58 =	vmul.f32 v47, v47;
	v28 =	vadd.f32 v45, v28;
	v27 =	vadd.f32 v30, v27  }
0x8a: {  	v52 =	vld.idx.msk [tilespmem:v37+s13+$0x0], $0xffff;
	v25 =	vadd.f32 v29, v25;
	v29 =	vmul.f32 v31, v43;
	v31 =	vsub.f32 v61, v33  }
0x8b: {  	v37 =	vld.idx.msk [tilespmem:v37+s14+$0x0], $0xffff;
	v6 =	vadd.f32 v6, v49;
	v30 =	vmul.f32 v42, v42;
	v27 =	vadd.f32 v28, v27  }
0x8c: {  	v23 =	vld.idx.msk [tilespmem:v23+s14+$0x0], $0xffff;
	v25 =	vadd.f32 v29, v25;
	v28 =	vmul.f32 v31, v50;
	v29 =	vsub.f32 v62, v63  }
0x8d: {  	v56 =	vld.idx.msk [tilespmem:v20+s14+$0x0], $0xffff;
	v20 =	vmul.f32 v61, v61;
	v26 =	vmul.f32 v26, v26;
	v6 =	vadd.f32 v30, v6  }
0x8e: {  	v25 =	vadd.f32 v28, v25;
	v28 =	vmul.f32 v29, v48;
	v29 =	vsub.f32 v47, v36  }
0x8f: {  	v26 =	vadd.f32 v26, v39;
	v31 =	vmul.f32 v60, v60;
	v6 =	vadd.f32 v6, v27  }
0x90: {  	v57 =	vld.idx.msk [tilespmem:v15+s13+$0x0], $0xffff;
	v25 =	vadd.f32 v28, v25;
	v27 =	vmul.f32 v29, v46;
	v28 =	vsub.f32 v52, v37  }
0x91: {  	v20 =	vadd.f32 v20, v44;
	v30 =	vld.idx.msk [tilespmem:v15+s14+$0x0], $0xffff;
	v15 =	vadd.f32 v31, v26;
	v26 =	vmul.f32 v33, v33  }
0x92: {  	v29 =	vld.idx.msk [tilespmem:v10+s13+$0x0], $0xffff;
	v25 =	vadd.f32 v27, v25;
	v24 =	vmul.f32 v28, v24;
	v27 =	vsub.f32 v53, v23  }
0x93: {  	v22 =	vadd.f32 v58, v22;
	v20 =	vadd.f32 v26, v20;
	v28 =	vld.idx.msk [tilespmem:v10+s14+$0x0], $0xffff;
	v10 =	vmul.f32 v62, v62  }
0x94: {  	v26 =	vld.idx.msk [tilespmem:v9+s13+$0x0], $0xffff;
	v25 =	vadd.f32 v24, v25;
	v21 =	vmul.f32 v27, v21;
	v27 =	vsub.f32 v55, v56  }
0x95: {  	v31 =	vmul.f32 v63, v63;
	v6 =	vadd.f32 v15, v6;
	v24 =	vld.idx.msk [tilespmem:v9+s14+$0x0], $0xffff;
	v9 =	vadd.f32 v10, v54  }
0x96: {  	v15 =	vld.idx.msk [tilespmem:v13+s13+$0x0], $0xffff;
	v21 =	vadd.f32 v21, v25;
	v18 =	vmul.f32 v27, v18;
	v25 =	vsub.f32 v57, v30  }
0x97: {  	v6 =	vadd.f32 v20, v6;
	v20 =	vmul.f32 v36, v36;
	v10 =	vld.idx.msk [tilespmem:v13+s14+$0x0], $0xffff;
	v9 =	vadd.f32 v31, v9  }
0x98: {  	s31 =	simm.s32 $0x20;
	v18 =	vadd.f32 v18, v21;
	v16 =	vmul.f32 v25, v16;
	v25 =	vsub.f32 v29, v28  }
0x99: {  	v27 =	vmul.f32 v52, v52;
	v21 =	vld.idx.msk [tilespmem:v13+s12+$0x0], $0xffff;
	v13 =	vmov s31;
	v6 =	vadd.f32 v9, v6  }
0x9a: {  	v16 =	vadd.f32 v16, v18;
	v12 =	vmul.f32 v25, v12;
	v18 =	vsub.f32 v26, v24  }
0x9b: {  	v9 =	vadd.f32 v20, v22;
	v20 =	vmul.f32 v53, v53;
	v13 =	vshll.u32 v13, $0x4  }
0x9c: {  	v16 =	vadd.f32 v12, v16;
	v8 =	vmul.f32 v18, v8;
	v18 =	vsub.f32 v15, v10  }
0x9d: {  	v12 =	vor.u32 v0, v13;
	v13 =	vadd.f32 v27, v19;
	v19 =	vmul.f32 v37, v37  }
0x9e: {  	v6 =	vadd.f32 v9, v6;
	v16 =	vadd.f32 v8, v16;
	v18 =	vmul.f32 v18, v21  }
0x9f: {  	v17 =	vadd.f32 v20, v17;
	v9 =	vadd.f32 v19, v13  }
0xa0: {  	v19 =	vmul.f32 v23, v23;
	v8 =	vor.u32 $0xE, v12;
	v20 =	vadd.f32 v18, v16  }
0xa1: {  	v13 =	vor.u32 $0xD, v12;
	v22 =	vadd.f32 v9, v6;
	v6 =	vmul.f32 v55, v55  }
0xa2: {  	v23 =	vor.u32 $0x9, v12;
	v17 =	vadd.f32 v19, v17;
	v33 =	vld.idx.msk [tilespmem:v12+s12+$0x0], $0xffff;
	v19 =	vmul.f32 v20, v20  }
0xa3: {  	v16 =	vor.u32 $0xC, v12;
	v37 =	vld.idx.msk [tilespmem:v12+s13+$0x0], $0xffff;
	v59 =	vadd.f32 v6, v14;
	v14 =	vmul.f32 $5.000000000e-01, v20  }
0xa4: {  	v18 =	vor.u32 $0xB, v12;
	v38 =	vld.idx.msk [tilespmem:v12+s14+$0x0], $0xffff;
	v25 =	vmul.f32 $-1.250000000e-01, v19;
	v31 =	vmul.f32 v19, v19  }
0xa5: {  	v34 =	vmul.f32 v57, v57;
	v27 =	vor.u32 $0x8, v12;
	v20 =	vor.u32 $0xA, v12;
	v6 =	vld.idx.msk [tilespmem:v8+s12+$0x0], $0xffff  }
0xa6: {  	v9 =	vld.idx.msk [tilespmem:v13+s12+$0x0], $0xffff;
	v25 =	vadd.f32 v25, v14;
	v61 =	vmul.f32 $5.208333490e-03, v31;
	v19 =	vmul.f32 v31, v19  }
0xa7: {  	v60 =	vmul.f32 v56, v56;
	v32 =	vor.u32 $0x7, v12;
	v40 =	vadd.f32 v17, v22;
	v22 =	vld.idx.msk [tilespmem:v23+s12+$0x0], $0xffff  }
0xa8: {  	v35 =	vor.u32 $0x6, v12;
	v14 =	vld.idx.msk [tilespmem:v16+s12+$0x0], $0xffff;
	v25 =	vadd.f32 v61, v25;
	v31 =	vmul.f32 $-3.472222310e-04, v19  }
0xa9: {  	v39 =	vor.u32 $0x5, v12;
	v17 =	vld.idx.msk [tilespmem:v18+s12+$0x0], $0xffff;
	v62 =	vmul.f32 v33, v33;
	v63 =	vmul.f32 v37, v37  }
0xaa: {  	v41 =	vor.u32 $0x4, v12;
	v44 =	vor.u32 $0x3, v12;
	v19 =	vld.idx.msk [tilespmem:v20+s12+$0x0], $0xffff;
	v31 =	vadd.f32 v31, v25  }
0xab: {  	s18 =	simm.s32 $0x30;
	v42 =	vadd.f32 v60, v59;
	v36 =	vmul.f32 v38, v38;
	v45 =	vadd.f32 v63, v62;
	v25 =	vld.idx.msk [tilespmem:v27+s12+$0x0], $0xffff  }
.LBB2_2:
0xac: {  	p0 =	sne.s32 s18, $0x1F0;
	v46 =	vor.u32 $0x2, v12;
	v43 =	vld.idx.msk [tilespmem:v32+s12+$0x0], $0xffff;
	v47 =	vadd.f32 v34, v3;
	v2 =	vadd.f32 v31, v2  }
0xad: {  	v48 =	vor.u32 $0x1, v12;
	v3 =	vmul.f32 v14, v14;
	v45 =	vadd.f32 v36, v45;
	v49 =	vld.idx.msk [tilespmem:v35+s12+$0x0], $0xffff  }
0xae: {  	v30 =	vmul.f32 v30, v30;
	v31 =	vmul.f32 v17, v17;
	v51 =	vadd.f32 v42, v40;
	v50 =	vld.idx.msk [tilespmem:v39+s12+$0x0], $0xffff  }
0xaf: {  	v53 =	vmul.f32 v9, v9;
	v7 =	vadd.f32 v11, v7;
	v34 =	vmul.f32 v19, v19;
	v52 =	vld.idx.msk [tilespmem:v41+s12+$0x0], $0xffff  }
0xb0: {  	v29 =	vmul.f32 v29, v29;
	v11 =	vadd.f32 v30, v47;
	v36 =	vmul.f32 v22, v22;
	v54 =	vld.idx.msk [tilespmem:v44+s12+$0x0], $0xffff  }
0xb1: {  	v28 =	vmul.f32 v28, v28;
	v1 =	vadd.f32 v7, v1;
	v40 =	vmul.f32 v25, v25;
	v30 =	vld.idx.msk [tilespmem:v46+s12+$0x0], $0xffff  }
0xb2: {  	v55 =	vmul.f32 v6, v6;
	v5 =	vadd.f32 v29, v5;
	v42 =	vmul.f32 v43, v43;
	v47 =	vld.idx.msk [tilespmem:v48+s12+$0x0], $0xffff  }
0xb3: {  	v7 =	vadd.f32 v11, v51;
	v11 =	vmul.f32 v26, v26;
	v56 =	vmul.f32 v49, v49;
	v29 =	vld.idx.msk [tilespmem:v48+s13+$0x0], $0xffff  }
0xb4: {  	v24 =	vmul.f32 v24, v24;
	v5 =	vadd.f32 v28, v5;
	v26 =	vld.idx.msk [tilespmem:v48+s14+$0x0], $0xffff;
	v48 =	vmul.f32 v50, v50  }
0xb5: {  	v4 =	vadd.f32 v11, v4;
	v11 =	vmul.f32 v21, v21;
	v51 =	vmul.f32 v52, v52;
	v28 =	vld.idx.msk [tilespmem:v46+s13+$0x0], $0xffff  }
0xb6: {  	v59 =	vadd.f32 v5, v7;
	v7 =	vmul.f32 v15, v15;
	v21 =	vld.idx.msk [tilespmem:v46+s14+$0x0], $0xffff;
	v46 =	vmul.f32 v54, v54  }
0xb7: {  	v10 =	vmul.f32 v10, v10;
	v60 =	vadd.f32 v24, v4;
	v15 =	vmul.f32 v30, v30;
	v57 =	vld.idx.msk [tilespmem:v44+s13+$0x0], $0xffff  }
0xb8: {  	v24 =	vsub.f32 v37, v38;
	v11 =	vadd.f32 v7, v11;
	v37 =	vmul.f32 v47, v47;
	v38 =	vld.idx.msk [tilespmem:v44+s14+$0x0], $0xffff  }
0xb9: {  	v5 =	vmovc v53;
	v7 =	vadd.f32 v60, v59;
	v4 =	vmov v55;
	v44 =	vmul.f32 v29, v29;
	v58 =	vld.idx.msk [tilespmem:v41+s13+$0x0], $0xffff  }
0xba: {  	v24 =	vmul.f32 v24, v33;
	v29 =	vsub.f32 v29, v26;
	v26 =	vmul.f32 v26, v26;
	v33 =	vld.idx.msk [tilespmem:v41+s14+$0x0], $0xffff  }
0xbb: {  	v11 =	vadd.f32 v10, v11;
	v37 =	vadd.f32 v44, v37;
	v41 =	vmul.f32 v28, v28;
	v44 =	vld.idx.msk [tilespmem:v39+s13+$0x0], $0xffff  }
0xbc: {  	v10 =	vadd.f32 $0.0e+00, v24;
	v24 =	vmul.f32 v29, v47;
	v28 =	vsub.f32 v28, v21;
	v29 =	vld.idx.msk [tilespmem:v39+s14+$0x0], $0xffff  }
0xbd: {  	v21 =	vmul.f32 v21, v21;
	v26 =	vadd.f32 v26, v37;
	v15 =	vadd.f32 v41, v15;
	v37 =	vld.idx.msk [tilespmem:v35+s13+$0x0], $0xffff  }
0xbe: {  	v10 =	vadd.f32 v24, v10;
	v24 =	vmul.f32 v28, v30;
	v28 =	vsub.f32 v57, v38;
	v35 =	vld.idx.msk [tilespmem:v35+s14+$0x0], $0xffff  }
0xbf: {  	v26 =	vadd.f32 v26, v45;
	v15 =	vadd.f32 v21, v15;
	v21 =	vmul.f32 v57, v57;
	v39 =	vld.idx.msk [tilespmem:v32+s13+$0x0], $0xffff  }
0xc0: {  	v10 =	vadd.f32 v24, v10;
	v24 =	vmul.f32 v28, v54;
	v28 =	vsub.f32 v58, v33;
	v32 =	vld.idx.msk [tilespmem:v32+s14+$0x0], $0xffff  }
0xc1: {  	v30 =	vmul.f32 v38, v38;
	v38 =	vmul.f32 v58, v58;
	v21 =	vadd.f32 v21, v46;
	v41 =	vld.idx.msk [tilespmem:v27+s13+$0x0], $0xffff  }
0xc2: {  	v10 =	vadd.f32 v24, v10;
	v24 =	vmul.f32 v28, v52;
	v28 =	vsub.f32 v44, v29;
	v27 =	vld.idx.msk [tilespmem:v27+s14+$0x0], $0xffff  }
0xc3: {  	v15 =	vadd.f32 v15, v26;
	v26 =	vmul.f32 v33, v33;
	v21 =	vadd.f32 v30, v21;
	v33 =	vld.idx.msk [tilespmem:v23+s13+$0x0], $0xffff  }
0xc4: {  	v10 =	vadd.f32 v24, v10;
	v24 =	vmul.f32 v28, v50;
	v28 =	vsub.f32 v37, v35;
	v23 =	vld.idx.msk [tilespmem:v23+s14+$0x0], $0xffff  }
0xc5: {  	v30 =	vmul.f32 v44, v44;
	v15 =	vadd.f32 v21, v15;
	v21 =	vadd.f32 v38, v51;
	v38 =	vld.idx.msk [tilespmem:v20+s13+$0x0], $0xffff  }
0xc6: {  	v10 =	vadd.f32 v24, v10;
	v24 =	vmul.f32 v28, v49;
	v28 =	vsub.f32 v39, v32;
	v20 =	vld.idx.msk [tilespmem:v20+s14+$0x0], $0xffff  }
0xc7: {  	v29 =	vmul.f32 v29, v29;
	v21 =	vadd.f32 v26, v21;
	v26 =	vadd.f32 v30, v48;
	v44 =	vld.idx.msk [tilespmem:v18+s13+$0x0], $0xffff  }
0xc8: {  	v10 =	vadd.f32 v24, v10;
	v24 =	vmul.f32 v28, v43;
	v28 =	vsub.f32 v41, v27;
	v43 =	vld.idx.msk [tilespmem:v18+s14+$0x0], $0xffff  }
0xc9: {  	v12 =	vor.u32 $0xF, v12;
	v15 =	vadd.f32 v21, v15;
	v18 =	vmul.f32 v37, v37;
	v45 =	vld.idx.msk [tilespmem:v16+s13+$0x0], $0xffff  }
0xca: {  	v10 =	vadd.f32 v24, v10;
	v21 =	vmul.f32 v28, v25;
	v24 =	vsub.f32 v33, v23;
	v30 =	vld.idx.msk [tilespmem:v16+s14+$0x0], $0xffff  }
0xcb: {  	v25 =	vmul.f32 v35, v35;
	v16 =	vadd.f32 v29, v26;
	v18 =	vadd.f32 v18, v56;
	v29 =	vld.idx.msk [tilespmem:v13+s13+$0x0], $0xffff  }
0xcc: {  	v10 =	vadd.f32 v21, v10;
	v21 =	vmul.f32 v24, v22;
	v22 =	vsub.f32 v38, v20;
	v28 =	vld.idx.msk [tilespmem:v13+s14+$0x0], $0xffff  }
0xcd: {  	v13 =	vadd.f32 v16, v15;
	v16 =	vadd.f32 v25, v18;
	v15 =	vmul.f32 v39, v39;
	v26 =	vld.idx.msk [tilespmem:v8+s13+$0x0], $0xffff  }
0xce: {  	v10 =	vadd.f32 v21, v10;
	v18 =	vmul.f32 v22, v19;
	v19 =	vsub.f32 v44, v43;
	v24 =	vld.idx.msk [tilespmem:v8+s14+$0x0], $0xffff  }
0xcf: {  	v21 =	vmul.f32 v32, v32;
	v22 =	vmul.f32 v41, v41;
	v8 =	vadd.f32 v15, v42;
	v15 =	vld.idx.msk [tilespmem:v12+s13+$0x0], $0xffff  }
0xd0: {  	v18 =	vadd.f32 v18, v10;
	v17 =	vmul.f32 v19, v17;
	v19 =	vsub.f32 v45, v30;
	v10 =	vld.idx.msk [tilespmem:v12+s14+$0x0], $0xffff  }
0xd1: {  	v13 =	vadd.f32 v16, v13;
	v16 =	vmul.f32 v27, v27;
	v8 =	vadd.f32 v21, v8  }
0xd2: {  	v17 =	vadd.f32 v17, v18;
	v14 =	vmul.f32 v19, v14;
	v18 =	vsub.f32 v29, v28;
	v21 =	vld.idx.msk [tilespmem:v12+s12+$0x0], $0xffff  }
0xd3: {  	v19 =	vadd.f32 v22, v40;
	v22 =	vmul.f32 v33, v33;
	v12 =	vmov s18  }
0xd4: {  	v14 =	vadd.f32 v14, v17;
	v9 =	vmul.f32 v18, v9;
	v17 =	vsub.f32 v26, v24  }
0xd5: {  	v8 =	vadd.f32 v8, v13;
	v12 =	vshll.u32 v12, $0x4;
	v13 =	vadd.f32 v16, v19  }
0xd6: {  	v9 =	vadd.f32 v9, v14;
	v6 =	vmul.f32 v17, v6;
	v14 =	vsub.f32 v15, v10  }
0xd7: {  	v16 =	vadd.f32 v22, v36;
	v12 =	vor.u32 v0, v12;
	v17 =	vmul.f32 v23, v23  }
0xd8: {  	v18 =	vmul.f32 v38, v38;
	v6 =	vadd.f32 v6, v9;
	v9 =	vmul.f32 v14, v21  }
0xd9: {  	v14 =	vadd.f32 v13, v8;
	v16 =	vadd.f32 v17, v16;
	v17 =	vmul.f32 v20, v20  }
0xda: {  	v18 =	vadd.f32 v18, v34;
	v8 =	vor.u32 $0xE, v12;
	v6 =	vadd.f32 v9, v6  }
0xdb: {  	v13 =	vor.u32 $0xD, v12;
	v19 =	vadd.f32 v16, v14;
	v9 =	vmul.f32 v44, v44  }
0xdc: {  	v16 =	vor.u32 $0xC, v12;
	v17 =	vadd.f32 v17, v18;
	v14 =	vmul.f32 v6, v6;
	v33 =	vld.idx.msk [tilespmem:v12+s12+$0x0], $0xffff  }
0xdd: {  	v18 =	vor.u32 $0xB, v12;
	v42 =	vadd.f32 v9, v31;
	v22 =	vmul.f32 $5.000000000e-01, v6;
	v37 =	vld.idx.msk [tilespmem:v12+s13+$0x0], $0xffff  }
0xde: {  	v20 =	vor.u32 $0xA, v12;
	v25 =	vmul.f32 $-1.250000000e-01, v14;
	v31 =	vmul.f32 v14, v14;
	v38 =	vld.idx.msk [tilespmem:v12+s14+$0x0], $0xffff  }
0xdf: {  	v43 =	vmul.f32 v43, v43;
	v27 =	vor.u32 $0x8, v12;
	v23 =	vor.u32 $0x9, v12;
	v6 =	vld.idx.msk [tilespmem:v8+s12+$0x0], $0xffff  }
0xe0: {  	v22 =	vadd.f32 v25, v22;
	v25 =	vmul.f32 $5.208333490e-03, v31;
	v31 =	vmul.f32 v31, v14;
	v9 =	vld.idx.msk [tilespmem:v13+s12+$0x0], $0xffff  }
.Ltmp0:
0xe1: {  	v32 =	vor.u32 $0x7, v12;
	v34 =	vmul.f32 v45, v45;
	v40 =	vadd.f32 v17, v19;
	v14 =	vld.idx.msk [tilespmem:v16+s12+$0x0], $0xffff;
	(pc) =	sbr.rel @p0 .LBB2_2-.Ltmp0, $4  }
0xe2: {  	v35 =	vor.u32 $0x6, v12;
	v25 =	vadd.f32 v25, v22;
	v31 =	vmul.f32 $-3.472222310e-04, v31;
	v17 =	vld.idx.msk [tilespmem:v18+s12+$0x0], $0xffff  }
0xe3: {  	v39 =	vor.u32 $0x5, v12;
	v44 =	vmul.f32 v33, v33;
	v45 =	vmul.f32 v37, v37;
	v19 =	vld.idx.msk [tilespmem:v20+s12+$0x0], $0xffff  }
0xe4: {  	v41 =	vor.u32 $0x4, v12;
	v36 =	vmul.f32 v38, v38;
	v31 =	vadd.f32 v31, v25;
	v22 =	vld.idx.msk [tilespmem:v23+s12+$0x0], $0xffff  }
0xe5: {  	s18 =	sadd.s32 $0x10, s18;
	v42 =	vadd.f32 v43, v42;
	v45 =	vadd.f32 v45, v44;
	v44 =	vor.u32 $0x3, v12;
	v25 =	vld.idx.msk [tilespmem:v27+s12+$0x0], $0xffff  }
0xe6: {  	_ =	sdelay $0x3  }
0xe7: {  	v46 =	vld.idx.msk [tilespmem:v32+s12+$0x0], $0xffff  }
0xe8: {  	v47 =	vld.idx.msk [tilespmem:v35+s12+$0x0], $0xffff  }
0xe9: {  	v49 =	vadd.f32 v34, v3;
	v50 =	vld.idx.msk [tilespmem:v39+s12+$0x0], $0xffff;
	v34 =	vmul.f32 v14, v14  }
0xea: {  	v43 =	vor.u32 $0x1, v12;
	v51 =	vld.idx.msk [tilespmem:v41+s12+$0x0], $0xffff;
	v60 =	vmul.f32 v30, v30;
	v3 =	vmul.f32 v9, v9  }
0xeb: {  	v29 =	vmul.f32 v29, v29;
	v54 =	vld.idx.msk [tilespmem:v44+s12+$0x0], $0xffff;
	v28 =	vmul.f32 v28, v28;
	v37 =	vsub.f32 v37, v38  }
0xec: {  	v61 =	vmul.f32 v26, v26;
	v24 =	vmul.f32 v24, v24;
	v38 =	vld.idx.msk [tilespmem:v44+s13+$0x0], $0xffff  }
0xed: {  	v48 =	vor.u32 $0x2, v12;
	v21 =	vmul.f32 v21, v21;
	v33 =	vmul.f32 v37, v33;
	v37 =	vld.idx.msk [tilespmem:v41+s13+$0x0], $0xffff  }
0xee: {  	v11 =	vadd.f32 v11, v7;
	v15 =	vmul.f32 v15, v15;
	v10 =	vmul.f32 v10, v10;
	v41 =	vld.idx.msk [tilespmem:v41+s14+$0x0], $0xffff  }
0xef: {  	v45 =	vadd.f32 v36, v45;
	v36 =	vmul.f32 v17, v17;
	v40 =	vadd.f32 v42, v40;
	v52 =	vld.idx.msk [tilespmem:v43+s12+$0x0], $0xffff  }
0xf0: {  	v30 =	vmul.f32 v19, v19;
	v42 =	vadd.f32 v60, v49;
	v29 =	vadd.f32 v29, v5;
	v53 =	vld.idx.msk [tilespmem:v43+s13+$0x0], $0xffff  }
0xf1: {  	v1 =	vadd.f32 v11, v1;
	v5 =	vmul.f32 v6, v6;
	v11 =	vadd.f32 v61, v4;
	v43 =	vld.idx.msk [tilespmem:v43+s14+$0x0], $0xffff  }
0xf2: {  	v15 =	vadd.f32 v15, v21;
	v7 =	vmul.f32 v22, v22;
	v40 =	vadd.f32 v42, v40;
	v56 =	vld.idx.msk [tilespmem:v48+s12+$0x0], $0xffff  }
0xf3: {  	v49 =	vmul.f32 v25, v25;
	v28 =	vadd.f32 v28, v29;
	v33 =	vadd.f32 $0.0e+00, v33;
	v29 =	vld.idx.msk [tilespmem:v48+s13+$0x0], $0xffff  }
0xf4: {  	v11 =	vadd.f32 v24, v11;
	v55 =	vmul.f32 v46, v46;
	v26 =	vmul.f32 v47, v47;
	v42 =	vld.idx.msk [tilespmem:v48+s14+$0x0], $0xffff  }
0xf5: {  	v58 =	vmul.f32 v50, v50;
	v48 =	vmul.f32 v51, v51;
	v4 =	vadd.f32 v28, v40;
	v28 =	vld.idx.msk [tilespmem:v44+s14+$0x0], $0xffff  }
0xf6: {  	v57 =	vmul.f32 v53, v53;
	v63 =	vmul.f32 v43, v43;
	v43 =	vsub.f32 v53, v43;
	v53 =	vld.idx.msk [tilespmem:v27+s13+$0x0], $0xffff  }
0xf7: {  	v10 =	vadd.f32 v10, v15;
	v62 =	vmul.f32 v52, v52;
	v60 =	vmul.f32 v56, v56;
	v27 =	vld.idx.msk [tilespmem:v27+s14+$0x0], $0xffff  }
0xf8: {  	v4 =	vadd.f32 v11, v4;
	v61 =	vmul.f32 v29, v29;
	v43 =	vmul.f32 v43, v52;
	v52 =	vld.idx.msk [tilespmem:v39+s13+$0x0], $0xffff  }
0xf9: {  	v29 =	vsub.f32 v29, v42;
	v42 =	vmul.f32 v42, v42;
	v59 =	vadd.f32 v57, v62;
	v39 =	vld.idx.msk [tilespmem:v39+s14+$0x0], $0xffff  }
0xfa: {  	v44 =	vadd.f32 v61, v60;
	v57 =	vsub.f32 v37, v41;
	v61 =	vmul.f32 v41, v41;
	v41 =	vld.idx.msk [tilespmem:v23+s13+$0x0], $0xffff  }
0xfb: {  	v4 =	vadd.f32 v10, v4;
	v62 =	vmul.f32 v54, v54;
	v29 =	vmul.f32 v29, v56;
	v23 =	vld.idx.msk [tilespmem:v23+s14+$0x0], $0xffff  }
0xfc: {  	v37 =	vmul.f32 v37, v37;
	v40 =	vadd.f32 v63, v59;
	v33 =	vadd.f32 v43, v33;
	v43 =	vld.idx.msk [tilespmem:v35+s13+$0x0], $0xffff  }
0xfd: {  	v63 =	vsub.f32 v38, v28;
	v35 =	vld.idx.msk [tilespmem:v35+s14+$0x0], $0xffff;
	v42 =	vadd.f32 v42, v44;
	v38 =	vmul.f32 v38, v38  }
0xfe: {  	v44 =	vld.idx.msk [tilespmem:v32+s13+$0x0], $0xffff;
	v59 =	vmul.f32 v57, v51;
	v37 =	vadd.f32 v37, v48;
	v57 =	vsub.f32 v53, v27  }
0xff: {  	v32 =	vld.idx.msk [tilespmem:v32+s14+$0x0], $0xffff;
	v40 =	vadd.f32 v40, v45;
	v29 =	vadd.f32 v29, v33;
	v56 =	vmul.f32 v63, v54  }
0x100: {  	v28 =	vmul.f32 v28, v28;
	v38 =	vadd.f32 v38, v62;
	v37 =	vadd.f32 v61, v37  }
0x101: {  	v61 =	vor.u32 $0xF, v12;
	v60 =	vsub.f32 v52, v39;
	v29 =	vadd.f32 v56, v29  }
0x102: {  	v45 =	vld.idx.msk [tilespmem:v20+s13+$0x0], $0xffff;
	v39 =	vmul.f32 v39, v39;
	v40 =	vadd.f32 v42, v40;
	v28 =	vadd.f32 v28, v38  }
0x103: {  	v20 =	vld.idx.msk [tilespmem:v20+s14+$0x0], $0xffff;
	v62 =	vmul.f32 v60, v50;
	v63 =	vsub.f32 v43, v35;
	v50 =	vmul.f32 v52, v52  }
0x104: {  	v52 =	vsub.f32 v44, v32;
	v60 =	vsub.f32 v41, v23;
	v42 =	vmul.f32 v35, v35  }
0x105: {  	v44 =	vmul.f32 v44, v44;
	v29 =	vadd.f32 v59, v29;
	v28 =	vadd.f32 v28, v40;
	v40 =	vld.idx.msk [tilespmem:v18+s13+$0x0], $0xffff  }
0x106: {  	v18 =	vld.idx.msk [tilespmem:v18+s14+$0x0], $0xffff;
	v59 =	vmul.f32 v57, v25;
	v51 =	vmul.f32 v63, v47;
	v54 =	vadd.f32 v50, v58  }
0x107: {  	v56 =	vmul.f32 v52, v46;
	v58 =	vmul.f32 v43, v43;
	v43 =	vld.idx.msk [tilespmem:v16+s13+$0x0], $0xffff;
	v29 =	vadd.f32 v62, v29  }
0x108: {  	v16 =	vld.idx.msk [tilespmem:v16+s14+$0x0], $0xffff;
	v63 =	vsub.f32 v45, v20;
	v48 =	vadd.f32 v44, v55;
	v52 =	vmul.f32 v32, v32  }
0x109: {  	v32 =	vmul.f32 v45, v45;
	v28 =	vadd.f32 v37, v28;
	v37 =	vld.idx.msk [tilespmem:v13+s13+$0x0], $0xffff;
	v29 =	vadd.f32 v51, v29  }
0x10a: {  	v62 =	vmul.f32 v60, v22;
	v13 =	vld.idx.msk [tilespmem:v13+s14+$0x0], $0xffff;
	v38 =	vadd.f32 v39, v54;
	v26 =	vadd.f32 v58, v26  }
0x10b: {  	v46 =	vmul.f32 v63, v19;
	v57 =	vadd.f32 v52, v48;
	v29 =	vadd.f32 v56, v29  }
0x10c: {  	v54 =	vmul.f32 v53, v53;
	v28 =	vadd.f32 v38, v28;
	v26 =	vadd.f32 v42, v26  }
0x10d: {  	v58 =	vmul.f32 v27, v27;
	v47 =	vsub.f32 v40, v18;
	v25 =	vadd.f32 v59, v29  }
0x10e: {  	v38 =	vld.idx.msk [tilespmem:v8+s13+$0x0], $0xffff;
	v42 =	vmul.f32 v40, v40;
	v51 =	vsub.f32 v43, v16;
	v26 =	vadd.f32 v26, v28  }
0x10f: {  	v8 =	vld.idx.msk [tilespmem:v8+s14+$0x0], $0xffff;
	v50 =	vmul.f32 v47, v17;
	v56 =	vsub.f32 v37, v13;
	v22 =	vadd.f32 v62, v25  }
0x110: {  	v45 =	vadd.f32 v42, v36;
	v47 =	vmul.f32 v43, v43;
	v59 =	vadd.f32 v54, v49  }
0x111: {  	v33 =	vld.idx.msk [tilespmem:v61+s13+$0x0], $0xffff;
	v55 =	vmul.f32 v51, v14;
	v29 =	vmul.f32 v23, v23;
	v19 =	vadd.f32 v46, v22  }
0x112: {  	v28 =	vld.idx.msk [tilespmem:v61+s14+$0x0], $0xffff;
	v11 =	vadd.f32 v47, v34;
	v62 =	vmul.f32 v41, v41;
	v63 =	vadd.f32 v58, v59  }
0x113: {  	v51 =	vmul.f32 v37, v37;
	v22 =	vadd.f32 v57, v26;
	v17 =	vadd.f32 v50, v19  }
0x114: {  	v12 =	vld.idx.msk [tilespmem:v61+s12+$0x0], $0xffff;
	v54 =	vmul.f32 v13, v13;
	v61 =	vsub.f32 v38, v8;
	v7 =	vadd.f32 v62, v7  }
0x115: {  	v60 =	vmul.f32 v56, v9;
	v39 =	vadd.f32 v63, v22;
	v14 =	vadd.f32 v55, v17  }
0x116: {  	v41 =	vmul.f32 v20, v20;
	v7 =	vadd.f32 v29, v7;
	v19 =	vadd.f32 v32, v30  }
0x117: {  	v26 =	vmul.f32 v61, v6;
	v27 =	vsub.f32 v33, v28;
	v9 =	vadd.f32 v60, v14  }
0x118: {  	v46 =	vmul.f32 v18, v18;
	v7 =	vadd.f32 v7, v39;
	v44 =	vadd.f32 v41, v19  }
0x119: {  	v3 =	vadd.f32 v51, v3;
	v35 =	vmul.f32 v27, v12;
	v6 =	vadd.f32 v26, v9  }
0x11a: {  	v49 =	vadd.f32 v46, v45;
	v50 =	vmul.f32 v16, v16;
	v7 =	vadd.f32 v44, v7  }
0x11b: {  	v56 =	vmul.f32 v38, v38;
	v8 =	vmul.f32 v8, v8;
	v6 =	vadd.f32 v35, v6  }
0x11c: {  	v58 =	vmul.f32 v33, v33;
	v53 =	vadd.f32 v50, v11;
	v7 =	vadd.f32 v49, v7  }
0x11d: {  	v3 =	vadd.f32 v54, v3;
	v5 =	vadd.f32 v56, v5;
	v48 =	vmul.f32 v6, v6  }
0x11e: {  	v57 =	vmul.f32 v12, v12;
	v7 =	vadd.f32 v53, v7;
	v6 =	vmul.f32 $5.000000000e-01, v6  }
0x11f: {  	v5 =	vadd.f32 v8, v5;
	v52 =	vmul.f32 $-1.250000000e-01, v48;
	v55 =	vmul.f32 v48, v48  }
0x120: {  	v61 =	vadd.f32 v58, v57;
	v60 =	vmul.f32 v28, v28;
	v3 =	vadd.f32 v3, v7  }
0x121: {  	v6 =	vadd.f32 v52, v6;
	v59 =	vmul.f32 $5.208333490e-03, v55;
	v13 =	vmul.f32 v55, v48  }
0x122: {  	v63 =	vadd.f32 v60, v61;
	v3 =	vadd.f32 v5, v3  }
0x123: {  	v6 =	vadd.f32 v59, v6;
	v62 =	vmul.f32 $-3.472222310e-04, v13  }
0x124: {  	v1 =	vadd.f32 v4, v1;
	v3 =	vadd.f32 v63, v3  }
0x125: {  	v2 =	vadd.f32 v31, v2;
	v6 =	vadd.f32 v62, v6  }
0x126: {  	v1 =	vadd.f32 v3, v1  }
0x127: {  	s17 =	sadd.s32 $0x1, s17;
	v2 =	vadd.f32 v6, v2  }
0x128: {  	p0 =	sne.s32 s17, s8;
	[tilespmem:$0x6610] =	vst v1  }
.Ltmp1:
0x129: {  	[tilespmem:$0x6600] =	vst v2;
	(pc) =	sbr.rel @p0 .LBB2_1-.Ltmp1, $4  }
0x12a: {  	[hbm4b:s7+s2] =	stream.linear.scatter [tilespmem:s16], [sflag:$0x2], $0x20, $0x38;
	[tilespmem:$0x6620] =	vst v63  }
0x12b: {  	_ =	swait.ge [sflag:s9], $0x20  }
0x12c: {  	[sflag:s9] =	ssyncset.done $0x0  }
0x12d: {  	[sflag:s9] =	ssyncadd.s32 $0xFFFFFFE0  }
0x12e: {  	_ =	sfence.sel $0x180000  }
0x12f: {  	[bflag:$0x0] =	sbarrier.arrive $0xFFFF  }
0x130: {  	p0 =	sne.s32 s1, $0x0;
	_ =	strace $0x90000047  }
0x131: {  	s0 =	sadd.s32 @!p0 $0x100000, s0;
	[bflag:$0x2] =	sbarrier.arrive $0xFFFF  }
0x132: {  	[sflag:s0] =	ssyncadd.tile.s32 @!p0 $0x1;
	_ =	shalt  }
.Lfunc_end2:
_tile_overlayer_lowered:
.L_overlay_start_2:
0x133: {  	(tag) =	ssettag $0x2  }
0x134: {  	s0 =	rddreg [dreg:$0x0];
	s2 =	stileid.u32  }
0x135: {  	s1 =	rddreg [dreg:$0x1];
	p0 =	sne.s32 s2, $0x0  }
0x136: {  	s3 =	rddreg [dreg:$0x2];
	[bflag:$0x3] =	sbarrier.arrive $0xFFFF;
	s2 =	simm.s32 @!p0 $0x1C02  }
0x137: {  	[timem:s3], [sflag:s2] =	dma.local @!p0 [hbm:s0], s1  }
0x138: {  	s0 =	simm.s32 @!p0 $0x2  }
0x139: {  	_ =	swait.ge @!p0 [sflag:s0], s1  }
0x13a: {  	s1 =	ssub.s32 @!p0 $0x0, s1;
	[sflag:s0] =	ssyncset.done @!p0 $0x0  }
0x13b: {  	[sflag:s0] =	ssyncadd.s32 @!p0 s1  }
0x13c: {  	[bflag:$0x3] =	sbarrier.arrive $0xFFFF  }
0x13d: {  	_ =	shalt  }

</sc_bundles>
